<compile_context>
chip_gen: v7x
topology: tpu7x:2x2x1
jax: 0.10.2.dev20260603
libtpu: 0.0.44.dev20260713+nightly
codegen_flags: <defaults>
</compile_context>

<pallas_src>
import functools

import jax
import jax.numpy as jnp
from jax import lax
from jax.experimental import pallas as pl
from jax.experimental.pallas import tpu as pltpu
from jax.experimental.pallas import tpu_sc as plsc

R = 128
N = 32768
L = 16
NC = 2
NS = 16
NW = NC * NS
TCR = 32
RPW = (R - TCR) // NW
UNROLL = 8
PLU = 4
STEPS = N // (L * UNROLL)

_mesh = plsc.VectorSubcoreMesh(core_axis_name="c", subcore_axis_name="s")


@functools.partial(
    pl.kernel,
    mesh=_mesh,
    out_type=jax.ShapeDtypeStruct((NW, L), jnp.float32),
    scratch_types=[
        pltpu.VMEM((N,), jnp.float32),
        pltpu.VMEM((N,), jnp.float32),
        pltpu.VMEM((RPW, 8, 128), jnp.float32),
        pltpu.VMEM((L,), jnp.float32),
        pltpu.SemaphoreType.DMA,
        pltpu.SemaphoreType.DMA,
        pltpu.SemaphoreType.DMA,
    ],
)
def _sc_argmax_gather(m_hbm, hypo_hbm, out_hbm, buf0, buf1, gwin, obuf,
                      ldsem0, ldsem1, wsem):
    wid = lax.axis_index("s") * NC + lax.axis_index("c")
    base_row = TCR + wid * RPW
    bufs = (buf0, buf1)
    sems = (ldsem0, ldsem1)
    lane = lax.iota(jnp.int32, L)

    copies = [None, None]
    copies[0] = pltpu.async_copy(m_hbm.at[base_row], bufs[0], sems[0])

    win_copies = []
    offs = []
    for r in range(RPW):
        b = r % 2
        if r + 1 < RPW:
            nb = (r + 1) % 2
            copies[nb] = pltpu.async_copy(
                m_hbm.at[base_row + r + 1], bufs[nb], sems[nb])
        copies[b].wait()
        buf = bufs[b]

        neg_inf = jnp.full((L,), -jnp.inf, jnp.float32)
        zeros = jnp.zeros((L,), jnp.int32)

        def body(i, carry, buf=buf):
            vmaxs, vits = carry
            base = i * (L * UNROLL)
            isplat = jnp.full((L,), i, jnp.int32)
            nmax, nit = [], []
            for u in range(UNROLL):
                v = buf[pl.ds(base + u * L, L)]
                mask = v > vmaxs[u]
                nmax.append(jnp.where(mask, v, vmaxs[u]))
                nit.append(jnp.where(mask, isplat, vits[u]))
            return tuple(nmax), tuple(nit)

        vmaxs, vits = plsc.parallel_loop(
            0, STEPS, 1, unroll=PLU,
            carry=((neg_inf,) * UNROLL, (zeros,) * UNROLL))(body)

        vmax = vmaxs[0]
        vidx = vits[0] * (L * UNROLL) + lane
        for u in range(1, UNROLL):
            vidx_u = vits[u] * (L * UNROLL) + (u * L) + lane
            take = (vmaxs[u] > vmax) | ((vmaxs[u] == vmax) & (vidx_u < vidx))
            vmax = jnp.where(take, vmaxs[u], vmax)
            vidx = jnp.where(take, vidx_u, vidx)

        for d in (8, 4, 2, 1):
            perm = jnp.bitwise_xor(lane, jnp.int32(d))
            vmax2 = vmax.at[perm].get(mode="promise_in_bounds")
            vidx2 = vidx.at[perm].get(mode="promise_in_bounds")
            take = (vmax2 > vmax) | ((vmax2 == vmax) & (vidx2 < vidx))
            vmax = jnp.where(take, vmax2, vmax)
            vidx = jnp.where(take, vidx2, vidx)

        row = base_row + r
        col = vidx[0]
        row8 = pl.multiple_of(row & jnp.int32(-8), 8)
        col128 = pl.multiple_of(col & jnp.int32(-128), 128)
        offs.append((row & jnp.int32(7), col & jnp.int32(127)))
        win_copies.append(pltpu.async_copy(
            hypo_hbm.at[pl.ds(row8, 8), pl.ds(col128, 128)],
            gwin.at[r], wsem))

    for cp in win_copies:
        cp.wait()

    outvec = jnp.zeros((L,), jnp.float32)
    for r in range(RPW):
        sub, off = offs[r]
        v = gwin[r, sub, pl.ds(off & jnp.int32(-16), L)]
        wv = v.at[jnp.full((L,), off & jnp.int32(15))].get(
            mode="promise_in_bounds")
        outvec = jnp.where(lane == r, wv, outvec)
    obuf[...] = outvec
    pltpu.sync_copy(obuf, out_hbm.at[wid])


def _tc_body(m_ref, h_ref, o_ref):
    x = m_ref[...]
    h = h_ref[...]
    idx = lax.broadcasted_iota(jnp.int32, (8, N), 1)
    mx = jnp.max(x, axis=1, keepdims=True)
    eq = x == mx
    big = jnp.full((8, N), jnp.int32(2**30))
    am = jnp.min(jnp.where(eq, idx, big), axis=1)
    sel = idx == am[:, None]
    o_ref[...] = jnp.sum(jnp.where(sel, h, 0.0), axis=1).reshape(1, 8, 1)


_tc_argmax_gather = pl.pallas_call(
    _tc_body,
    grid=(TCR // 8,),
    in_specs=[
        pl.BlockSpec((8, N), lambda i: (i, 0)),
        pl.BlockSpec((8, N), lambda i: (i, 0)),
    ],
    out_specs=pl.BlockSpec((1, 8, 1), lambda i: (i, 0, 0)),
    out_shape=jax.ShapeDtypeStruct((TCR // 8, 8, 1), jnp.float32),
)


def kernel(hypo, m):
    out_sc = _sc_argmax_gather(m, hypo)
    out_tc = _tc_argmax_gather(m, hypo)
    return jnp.concatenate(
        [out_tc.reshape(TCR), out_sc[:, :RPW].reshape(R - TCR)])

# --- scband reference (transcript-rebuilt; emitter-appended) ---
"""Pipeline reference for scband-max-conc-6777458393925 (READ-ONLY COPY).

The authoritative reference and input builder live on the scoring server;
editing this copy changes nothing except your own understanding.
"""

import jax, jax.numpy as jnp
import numpy as np


def setup_inputs(seed: int = 0) -> dict:
    key = jax.random.key(seed)
    k1, k2 = jax.random.split(key)
    hypo = jax.random.normal(k1, (128, 32768), dtype=jnp.float32)
    m = jax.random.normal(k2, (128, 32768), dtype=jnp.float32)
    return {"hypo": hypo, "m": m}


def reference(hypo, m):
    # torch.max(m, dim=-1, keepdim=True)[1] -> argmax indices
    indices = jnp.argmax(m, axis=-1, keepdims=True)
    # torch.gather(hypo, -1, indices).squeeze(dim=-1)
    out = jnp.take_along_axis(hypo, indices, axis=-1)
    return jnp.squeeze(out, axis=-1)

if __name__ == "__main__":
    import jax
    _d = setup_inputs()
    print(jax.jit(kernel)(*tuple(_d.values())))

</pallas_src>

<mosaic_0001>
#map = affine_map<(d0, d1) -> (0, 0)>
module attributes {stable_mosaic.version = 14 : i64} {
  func.func @_sc_argmax_gather(%arg0: i32, %arg1: i32, %arg2: memref<128x32768xf32, #tpu.memory_space<hbm>>, %arg3: memref<128x32768xf32, #tpu.memory_space<hbm>>, %arg4: memref<32x16xf32, #tpu.memory_space<hbm>>, %arg5: memref<32768xf32, #tpu.memory_space<vmem>>, %arg6: memref<32768xf32, #tpu.memory_space<vmem>>, %arg7: memref<3x8x128xf32, #tpu.memory_space<vmem>>, %arg8: memref<16xf32, #tpu.memory_space<vmem>>, %arg9: memref<!tpu.dma_semaphore, #tpu.memory_space<semaphore_mem>>, %arg10: memref<!tpu.dma_semaphore, #tpu.memory_space<semaphore_mem>>, %arg11: memref<!tpu.dma_semaphore, #tpu.memory_space<semaphore_mem>>) attributes {dimension_semantics = [#tpu.dimension_semantics<core_parallel>, #tpu.dimension_semantics<subcore_parallel>], iteration_bounds = array<i64: 2, 16>, scalar_prefetch = 0 : i64, scratch_operands = 7 : i64, tpu.core_type = #tpu.core_type<sc_vector_subcore>, window_params = [{transform_indices = #map}, {transform_indices = #map}, {transform_indices = #map}]} {
    %mul3A = arith.constant 2 : i32
    %mul3A_0 = arith.muli %arg1, %mul3A : i32
    %add3A = arith.addi %mul3A_0, %arg0 : i32
    %mul3A_1 = arith.constant 3 : i32
    %mul3A_2 = arith.muli %add3A, %mul3A_1 : i32
    %add3A_3 = arith.constant 32 : i32
    %add3A_4 = arith.addi %add3A_3, %mul3A_2 : i32
    %iota3A = tpu.iota {dimensions = array<i32: 0>} : vector<16xi32>
    %dma_start3A = arith.constant 0 : i32
    %dma_start3A_5 = tpu.memref_slice %arg2[%add3A_4, %dma_start3A] : memref<128x32768xf32, #tpu.memory_space<hbm>> -> memref<1x32768xf32, #tpu.memory_space<hbm>>
    %dma_start3A_6 = tpu.memref_squeeze %dma_start3A_5 : memref<1x32768xf32, #tpu.memory_space<hbm>> -> memref<32768xf32, #tpu.memory_space<hbm>>
    %dma_start3A_7 = arith.constant 0 : i32
    %dma_start3A_8 = tpu.memref_slice %arg2[%add3A_4, %dma_start3A_7] : memref<128x32768xf32, #tpu.memory_space<hbm>> -> memref<1x32768xf32, #tpu.memory_space<hbm>>
    %dma_start3A_9 = tpu.memref_squeeze %dma_start3A_8 : memref<1x32768xf32, #tpu.memory_space<hbm>> -> memref<32768xf32, #tpu.memory_space<hbm>>
    tpu.enqueue_dma source(%dma_start3A_9 : memref<32768xf32, #tpu.memory_space<hbm>>) target(%arg5 : memref<32768xf32, #tpu.memory_space<vmem>>) target_semaphore(%arg9 : memref<!tpu.dma_semaphore, #tpu.memory_space<semaphore_mem>>)
    %add3A_10 = arith.constant 0 : i32
    %add3A_11 = arith.addi %add3A_4, %add3A_10 : i32
    %add3A_12 = arith.constant 1 : i32
    %add3A_13 = arith.addi %add3A_11, %add3A_12 : i32
    %dma_start3A_14 = arith.constant 0 : i32
    %dma_start3A_15 = tpu.memref_slice %arg2[%add3A_13, %dma_start3A_14] : memref<128x32768xf32, #tpu.memory_space<hbm>> -> memref<1x32768xf32, #tpu.memory_space<hbm>>
    %dma_start3A_16 = tpu.memref_squeeze %dma_start3A_15 : memref<1x32768xf32, #tpu.memory_space<hbm>> -> memref<32768xf32, #tpu.memory_space<hbm>>
    %dma_start3A_17 = arith.constant 0 : i32
    %dma_start3A_18 = tpu.memref_slice %arg2[%add3A_13, %dma_start3A_17] : memref<128x32768xf32, #tpu.memory_space<hbm>> -> memref<1x32768xf32, #tpu.memory_space<hbm>>
    %dma_start3A_19 = tpu.memref_squeeze %dma_start3A_18 : memref<1x32768xf32, #tpu.memory_space<hbm>> -> memref<32768xf32, #tpu.memory_space<hbm>>
    tpu.enqueue_dma source(%dma_start3A_19 : memref<32768xf32, #tpu.memory_space<hbm>>) target(%arg6 : memref<32768xf32, #tpu.memory_space<vmem>>) target_semaphore(%arg10 : memref<!tpu.dma_semaphore, #tpu.memory_space<semaphore_mem>>)
    %dma_wait3A = arith.constant 0 : i32
    %dma_wait3A_20 = tpu.memref_slice %arg2[%add3A_4, %dma_wait3A] : memref<128x32768xf32, #tpu.memory_space<hbm>> -> memref<1x32768xf32, #tpu.memory_space<hbm>>
    %dma_wait3A_21 = tpu.memref_squeeze %dma_wait3A_20 : memref<1x32768xf32, #tpu.memory_space<hbm>> -> memref<32768xf32, #tpu.memory_space<hbm>>
    %dma_wait3A_22 = arith.constant 0 : i32
    %dma_wait3A_23 = tpu.memref_slice %arg2[%add3A_4, %dma_wait3A_22] : memref<128x32768xf32, #tpu.memory_space<hbm>> -> memref<1x32768xf32, #tpu.memory_space<hbm>>
    %dma_wait3A_24 = tpu.memref_squeeze %dma_wait3A_23 : memref<1x32768xf32, #tpu.memory_space<hbm>> -> memref<32768xf32, #tpu.memory_space<hbm>>
    tpu.wait_dma2 semaphore(%arg9 : memref<!tpu.dma_semaphore, #tpu.memory_space<semaphore_mem>>) src(%dma_wait3A_24 : memref<32768xf32, #tpu.memory_space<hbm>>) dst(%arg5 : memref<32768xf32, #tpu.memory_space<vmem>>)
    %broadcast_in_dim3A = arith.constant 0xFF800000 : f32
    %broadcast_in_dim3A_25 = vector.broadcast %broadcast_in_dim3A : f32 to vector<16xf32>
    %broadcast_in_dim3A_26 = arith.constant 0 : i32
    %broadcast_in_dim3A_27 = vector.broadcast %broadcast_in_dim3A_26 : i32 to vector<16xi32>
    %parallel_loop3A = arith.constant 0 : i32
    %parallel_loop3A_28 = arith.constant 256 : i32
    %parallel_loop3A_29 = arith.constant 1 : i32
    %parallel_loop3A_30:16 = scf.for %parallel_loop3A_911 = %parallel_loop3A to %parallel_loop3A_28 step %parallel_loop3A_29 iter_args(%parallel_loop3A_912 = %broadcast_in_dim3A_25, %parallel_loop3A_913 = %broadcast_in_dim3A_25, %parallel_loop3A_914 = %broadcast_in_dim3A_25, %parallel_loop3A_915 = %broadcast_in_dim3A_25, %parallel_loop3A_916 = %broadcast_in_dim3A_25, %parallel_loop3A_917 = %broadcast_in_dim3A_25, %parallel_loop3A_918 = %broadcast_in_dim3A_25, %parallel_loop3A_919 = %broadcast_in_dim3A_25, %parallel_loop3A_920 = %broadcast_in_dim3A_27, %parallel_loop3A_921 = %broadcast_in_dim3A_27, %parallel_loop3A_922 = %broadcast_in_dim3A_27, %parallel_loop3A_923 = %broadcast_in_dim3A_27, %parallel_loop3A_924 = %broadcast_in_dim3A_27, %parallel_loop3A_925 = %broadcast_in_dim3A_27, %parallel_loop3A_926 = %broadcast_in_dim3A_27, %parallel_loop3A_927 = %broadcast_in_dim3A_27) -> (vector<16xf32>, vector<16xf32>, vector<16xf32>, vector<16xf32>, vector<16xf32>, vector<16xf32>, vector<16xf32>, vector<16xf32>, vector<16xi32>, vector<16xi32>, vector<16xi32>, vector<16xi32>, vector<16xi32>, vector<16xi32>, vector<16xi32>, vector<16xi32>)  : i32 {
      %parallel_loop3A_928 = arith.constant 128 : i32
      %parallel_loop3A_929 = arith.muli %parallel_loop3A_911, %parallel_loop3A_928 : i32
      %parallel_loop3A_930 = vector.broadcast %parallel_loop3A_911 : i32 to vector<16xi32>
      %parallel_loop3A_931 = arith.constant 0 : i32
      %parallel_loop3A_932 = arith.addi %parallel_loop3A_929, %parallel_loop3A_931 : i32
      %parallel_loop3A_933 = arith.index_cast %parallel_loop3A_932 : i32 to index
      %parallel_loop3A_934 = tpu.vector_load %arg5[%parallel_loop3A_933] {strides = array<i32>} : memref<32768xf32, #tpu.memory_space<vmem>>, vector<16xf32>,
      %parallel_loop3A_935 = vector.shape_cast %parallel_loop3A_934 : vector<16xf32> to vector<16xf32>
      %parallel_loop3A_936 = arith.cmpf ogt, %parallel_loop3A_935, %parallel_loop3A_912 : vector<16xf32>
      %parallel_loop3A_937 = arith.select %parallel_loop3A_936, %parallel_loop3A_935, %parallel_loop3A_912 : vector<16xi1>, vector<16xf32>
      %parallel_loop3A_938 = arith.select %parallel_loop3A_936, %parallel_loop3A_930, %parallel_loop3A_920 : vector<16xi1>, vector<16xi32>
      %parallel_loop3A_939 = arith.constant 16 : i32
      %parallel_loop3A_940 = arith.addi %parallel_loop3A_929, %parallel_loop3A_939 : i32
      %parallel_loop3A_941 = arith.index_cast %parallel_loop3A_940 : i32 to index
      %parallel_loop3A_942 = tpu.vector_load %arg5[%parallel_loop3A_941] {strides = array<i32>} : memref<32768xf32, #tpu.memory_space<vmem>>, vector<16xf32>,
      %parallel_loop3A_943 = vector.shape_cast %parallel_loop3A_942 : vector<16xf32> to vector<16xf32>
      %parallel_loop3A_944 = arith.cmpf ogt, %parallel_loop3A_943, %parallel_loop3A_913 : vector<16xf32>
      %parallel_loop3A_945 = arith.select %parallel_loop3A_944, %parallel_loop3A_943, %parallel_loop3A_913 : vector<16xi1>, vector<16xf32>
      %parallel_loop3A_946 = arith.select %parallel_loop3A_944, %parallel_loop3A_930, %parallel_loop3A_921 : vector<16xi1>, vector<16xi32>
      %parallel_loop3A_947 = arith.constant 32 : i32
      %parallel_loop3A_948 = arith.addi %parallel_loop3A_929, %parallel_loop3A_947 : i32
      %parallel_loop3A_949 = arith.index_cast %parallel_loop3A_948 : i32 to index
      %parallel_loop3A_950 = tpu.vector_load %arg5[%parallel_loop3A_949] {strides = array<i32>} : memref<32768xf32, #tpu.memory_space<vmem>>, vector<16xf32>,
      %parallel_loop3A_951 = vector.shape_cast %parallel_loop3A_950 : vector<16xf32> to vector<16xf32>
      %parallel_loop3A_952 = arith.cmpf ogt, %parallel_loop3A_951, %parallel_loop3A_914 : vector<16xf32>
      %parallel_loop3A_953 = arith.select %parallel_loop3A_952, %parallel_loop3A_951, %parallel_loop3A_914 : vector<16xi1>, vector<16xf32>
      %parallel_loop3A_954 = arith.select %parallel_loop3A_952, %parallel_loop3A_930, %parallel_loop3A_922 : vector<16xi1>, vector<16xi32>
      %parallel_loop3A_955 = arith.constant 48 : i32
      %parallel_loop3A_956 = arith.addi %parallel_loop3A_929, %parallel_loop3A_955 : i32
      %parallel_loop3A_957 = arith.index_cast %parallel_loop3A_956 : i32 to index
      %parallel_loop3A_958 = tpu.vector_load %arg5[%parallel_loop3A_957] {strides = array<i32>} : memref<32768xf32, #tpu.memory_space<vmem>>, vector<16xf32>,
      %parallel_loop3A_959 = vector.shape_cast %parallel_loop3A_958 : vector<16xf32> to vector<16xf32>
      %parallel_loop3A_960 = arith.cmpf ogt, %parallel_loop3A_959, %parallel_loop3A_915 : vector<16xf32>
      %parallel_loop3A_961 = arith.select %parallel_loop3A_960, %parallel_loop3A_959, %parallel_loop3A_915 : vector<16xi1>, vector<16xf32>
      %parallel_loop3A_962 = arith.select %parallel_loop3A_960, %parallel_loop3A_930, %parallel_loop3A_923 : vector<16xi1>, vector<16xi32>
      %parallel_loop3A_963 = arith.constant 64 : i32
      %parallel_loop3A_964 = arith.addi %parallel_loop3A_929, %parallel_loop3A_963 : i32
      %parallel_loop3A_965 = arith.index_cast %parallel_loop3A_964 : i32 to index
      %parallel_loop3A_966 = tpu.vector_load %arg5[%parallel_loop3A_965] {strides = array<i32>} : memref<32768xf32, #tpu.memory_space<vmem>>, vector<16xf32>,
      %parallel_loop3A_967 = vector.shape_cast %parallel_loop3A_966 : vector<16xf32> to vector<16xf32>
      %parallel_loop3A_968 = arith.cmpf ogt, %parallel_loop3A_967, %parallel_loop3A_916 : vector<16xf32>
      %parallel_loop3A_969 = arith.select %parallel_loop3A_968, %parallel_loop3A_967, %parallel_loop3A_916 : vector<16xi1>, vector<16xf32>
      %parallel_loop3A_970 = arith.select %parallel_loop3A_968, %parallel_loop3A_930, %parallel_loop3A_924 : vector<16xi1>, vector<16xi32>
      %parallel_loop3A_971 = arith.constant 80 : i32
      %parallel_loop3A_972 = arith.addi %parallel_loop3A_929, %parallel_loop3A_971 : i32
      %parallel_loop3A_973 = arith.index_cast %parallel_loop3A_972 : i32 to index
      %parallel_loop3A_974 = tpu.vector_load %arg5[%parallel_loop3A_973] {strides = array<i32>} : memref<32768xf32, #tpu.memory_space<vmem>>, vector<16xf32>,
      %parallel_loop3A_975 = vector.shape_cast %parallel_loop3A_974 : vector<16xf32> to vector<16xf32>
      %parallel_loop3A_976 = arith.cmpf ogt, %parallel_loop3A_975, %parallel_loop3A_917 : vector<16xf32>
      %parallel_loop3A_977 = arith.select %parallel_loop3A_976, %parallel_loop3A_975, %parallel_loop3A_917 : vector<16xi1>, vector<16xf32>
      %parallel_loop3A_978 = arith.select %parallel_loop3A_976, %parallel_loop3A_930, %parallel_loop3A_925 : vector<16xi1>, vector<16xi32>
      %parallel_loop3A_979 = arith.constant 96 : i32
      %parallel_loop3A_980 = arith.addi %parallel_loop3A_929, %parallel_loop3A_979 : i32
      %parallel_loop3A_981 = arith.index_cast %parallel_loop3A_980 : i32 to index
      %parallel_loop3A_982 = tpu.vector_load %arg5[%parallel_loop3A_981] {strides = array<i32>} : memref<32768xf32, #tpu.memory_space<vmem>>, vector<16xf32>,
      %parallel_loop3A_983 = vector.shape_cast %parallel_loop3A_982 : vector<16xf32> to vector<16xf32>
      %parallel_loop3A_984 = arith.cmpf ogt, %parallel_loop3A_983, %parallel_loop3A_918 : vector<16xf32>
      %parallel_loop3A_985 = arith.select %parallel_loop3A_984, %parallel_loop3A_983, %parallel_loop3A_918 : vector<16xi1>, vector<16xf32>
      %parallel_loop3A_986 = arith.select %parallel_loop3A_984, %parallel_loop3A_930, %parallel_loop3A_926 : vector<16xi1>, vector<16xi32>
      %parallel_loop3A_987 = arith.constant 112 : i32
      %parallel_loop3A_988 = arith.addi %parallel_loop3A_929, %parallel_loop3A_987 : i32
      %parallel_loop3A_989 = arith.index_cast %parallel_loop3A_988 : i32 to index
      %parallel_loop3A_990 = tpu.vector_load %arg5[%parallel_loop3A_989] {strides = array<i32>} : memref<32768xf32, #tpu.memory_space<vmem>>, vector<16xf32>,
      %parallel_loop3A_991 = vector.shape_cast %parallel_loop3A_990 : vector<16xf32> to vector<16xf32>
      %parallel_loop3A_992 = arith.cmpf ogt, %parallel_loop3A_991, %parallel_loop3A_919 : vector<16xf32>
      %parallel_loop3A_993 = arith.select %parallel_loop3A_992, %parallel_loop3A_991, %parallel_loop3A_919 : vector<16xi1>, vector<16xf32>
      %parallel_loop3A_994 = arith.select %parallel_loop3A_992, %parallel_loop3A_930, %parallel_loop3A_927 : vector<16xi1>, vector<16xi32>
      scf.yield %parallel_loop3A_937, %parallel_loop3A_945, %parallel_loop3A_953, %parallel_loop3A_961, %parallel_loop3A_969, %parallel_loop3A_977, %parallel_loop3A_985, %parallel_loop3A_993, %parallel_loop3A_938, %parallel_loop3A_946, %parallel_loop3A_954, %parallel_loop3A_962, %parallel_loop3A_970, %parallel_loop3A_978, %parallel_loop3A_986, %parallel_loop3A_994 : vector<16xf32>, vector<16xf32>, vector<16xf32>, vector<16xf32>, vector<16xf32>, vector<16xf32>, vector<16xf32>, vector<16xf32>, vector<16xi32>, vector<16xi32>, vector<16xi32>, vector<16xi32>, vector<16xi32>, vector<16xi32>, vector<16xi32>, vector<16xi32>
    } {sc.loop_unroll_factor = 4 : i64, sc.parallel_access}
    %mul3A_31 = arith.constant 128 : i32
    %mul3A_32 = vector.broadcast %mul3A_31 : i32 to vector<16xi32>
    %mul3A_33 = arith.muli %parallel_loop3A_30#8, %mul3A_32 : vector<16xi32>
    %add3A_34 = arith.addi %mul3A_33, %iota3A : vector<16xi32>
    %mul3A_35 = arith.constant 128 : i32
    %mul3A_36 = vector.broadcast %mul3A_35 : i32 to vector<16xi32>
    %mul3A_37 = arith.muli %parallel_loop3A_30#9, %mul3A_36 : vector<16xi32>
    %add3A_38 = arith.constant 16 : i32
    %add3A_39 = vector.broadcast %add3A_38 : i32 to vector<16xi32>
    %add3A_40 = arith.addi %mul3A_37, %add3A_39 : vector<16xi32>
    %add3A_41 = arith.addi %add3A_40, %iota3A : vector<16xi32>
    %gt3A = arith.cmpf ogt, %parallel_loop3A_30#1, %parallel_loop3A_30#0 : vector<16xf32>
    %eq3A = arith.cmpf oeq, %parallel_loop3A_30#1, %parallel_loop3A_30#0 : vector<16xf32>
    %lt3A = arith.cmpi slt, %add3A_41, %add3A_34 : vector<16xi32>
    %and3A = arith.andi %eq3A, %lt3A : vector<16xi1>
    %or3A = arith.ori %gt3A, %and3A : vector<16xi1>
    %select_n3A = arith.select %or3A, %parallel_loop3A_30#1, %parallel_loop3A_30#0 : vector<16xi1>, vector<16xf32>
    %select_n3A_42 = arith.select %or3A, %add3A_41, %add3A_34 : vector<16xi1>, vector<16xi32>
    %mul3A_43 = arith.constant 128 : i32
    %mul3A_44 = vector.broadcast %mul3A_43 : i32 to vector<16xi32>
    %mul3A_45 = arith.muli %parallel_loop3A_30#10, %mul3A_44 : vector<16xi32>
    %add3A_46 = arith.constant 32 : i32
    %add3A_47 = vector.broadcast %add3A_46 : i32 to vector<16xi32>
    %add3A_48 = arith.addi %mul3A_45, %add3A_47 : vector<16xi32>
    %add3A_49 = arith.addi %add3A_48, %iota3A : vector<16xi32>
    %gt3A_50 = arith.cmpf ogt, %parallel_loop3A_30#2, %select_n3A : vector<16xf32>
    %eq3A_51 = arith.cmpf oeq, %parallel_loop3A_30#2, %select_n3A : vector<16xf32>
    %lt3A_52 = arith.cmpi slt, %add3A_49, %select_n3A_42 : vector<16xi32>
    %and3A_53 = arith.andi %eq3A_51, %lt3A_52 : vector<16xi1>
    %or3A_54 = arith.ori %gt3A_50, %and3A_53 : vector<16xi1>
    %select_n3A_55 = arith.select %or3A_54, %parallel_loop3A_30#2, %select_n3A : vector<16xi1>, vector<16xf32>
    %select_n3A_56 = arith.select %or3A_54, %add3A_49, %select_n3A_42 : vector<16xi1>, vector<16xi32>
    %mul3A_57 = arith.constant 128 : i32
    %mul3A_58 = vector.broadcast %mul3A_57 : i32 to vector<16xi32>
    %mul3A_59 = arith.muli %parallel_loop3A_30#11, %mul3A_58 : vector<16xi32>
    %add3A_60 = arith.constant 48 : i32
    %add3A_61 = vector.broadcast %add3A_60 : i32 to vector<16xi32>
    %add3A_62 = arith.addi %mul3A_59, %add3A_61 : vector<16xi32>
    %add3A_63 = arith.addi %add3A_62, %iota3A : vector<16xi32>
    %gt3A_64 = arith.cmpf ogt, %parallel_loop3A_30#3, %select_n3A_55 : vector<16xf32>
    %eq3A_65 = arith.cmpf oeq, %parallel_loop3A_30#3, %select_n3A_55 : vector<16xf32>
    %lt3A_66 = arith.cmpi slt, %add3A_63, %select_n3A_56 : vector<16xi32>
    %and3A_67 = arith.andi %eq3A_65, %lt3A_66 : vector<16xi1>
    %or3A_68 = arith.ori %gt3A_64, %and3A_67 : vector<16xi1>
    %select_n3A_69 = arith.select %or3A_68, %parallel_loop3A_30#3, %select_n3A_55 : vector<16xi1>, vector<16xf32>
    %select_n3A_70 = arith.select %or3A_68, %add3A_63, %select_n3A_56 : vector<16xi1>, vector<16xi32>
    %mul3A_71 = arith.constant 128 : i32
    %mul3A_72 = vector.broadcast %mul3A_71 : i32 to vector<16xi32>
    %mul3A_73 = arith.muli %parallel_loop3A_30#12, %mul3A_72 : vector<16xi32>
    %add3A_74 = arith.constant 64 : i32
    %add3A_75 = vector.broadcast %add3A_74 : i32 to vector<16xi32>
    %add3A_76 = arith.addi %mul3A_73, %add3A_75 : vector<16xi32>
    %add3A_77 = arith.addi %add3A_76, %iota3A : vector<16xi32>
    %gt3A_78 = arith.cmpf ogt, %parallel_loop3A_30#4, %select_n3A_69 : vector<16xf32>
    %eq3A_79 = arith.cmpf oeq, %parallel_loop3A_30#4, %select_n3A_69 : vector<16xf32>
    %lt3A_80 = arith.cmpi slt, %add3A_77, %select_n3A_70 : vector<16xi32>
    %and3A_81 = arith.andi %eq3A_79, %lt3A_80 : vector<16xi1>
    %or3A_82 = arith.ori %gt3A_78, %and3A_81 : vector<16xi1>
    %select_n3A_83 = arith.select %or3A_82, %parallel_loop3A_30#4, %select_n3A_69 : vector<16xi1>, vector<16xf32>
    %select_n3A_84 = arith.select %or3A_82, %add3A_77, %select_n3A_70 : vector<16xi1>, vector<16xi32>
    %mul3A_85 = arith.constant 128 : i32
    %mul3A_86 = vector.broadcast %mul3A_85 : i32 to vector<16xi32>
    %mul3A_87 = arith.muli %parallel_loop3A_30#13, %mul3A_86 : vector<16xi32>
    %add3A_88 = arith.constant 80 : i32
    %add3A_89 = vector.broadcast %add3A_88 : i32 to vector<16xi32>
    %add3A_90 = arith.addi %mul3A_87, %add3A_89 : vector<16xi32>
    %add3A_91 = arith.addi %add3A_90, %iota3A : vector<16xi32>
    %gt3A_92 = arith.cmpf ogt, %parallel_loop3A_30#5, %select_n3A_83 : vector<16xf32>
    %eq3A_93 = arith.cmpf oeq, %parallel_loop3A_30#5, %select_n3A_83 : vector<16xf32>
    %lt3A_94 = arith.cmpi slt, %add3A_91, %select_n3A_84 : vector<16xi32>
    %and3A_95 = arith.andi %eq3A_93, %lt3A_94 : vector<16xi1>
    %or3A_96 = arith.ori %gt3A_92, %and3A_95 : vector<16xi1>
    %select_n3A_97 = arith.select %or3A_96, %parallel_loop3A_30#5, %select_n3A_83 : vector<16xi1>, vector<16xf32>
    %select_n3A_98 = arith.select %or3A_96, %add3A_91, %select_n3A_84 : vector<16xi1>, vector<16xi32>
    %mul3A_99 = arith.constant 128 : i32
    %mul3A_100 = vector.broadcast %mul3A_99 : i32 to vector<16xi32>
    %mul3A_101 = arith.muli %parallel_loop3A_30#14, %mul3A_100 : vector<16xi32>
    %add3A_102 = arith.constant 96 : i32
    %add3A_103 = vector.broadcast %add3A_102 : i32 to vector<16xi32>
    %add3A_104 = arith.addi %mul3A_101, %add3A_103 : vector<16xi32>
    %add3A_105 = arith.addi %add3A_104, %iota3A : vector<16xi32>
    %gt3A_106 = arith.cmpf ogt, %parallel_loop3A_30#6, %select_n3A_97 : vector<16xf32>
    %eq3A_107 = arith.cmpf oeq, %parallel_loop3A_30#6, %select_n3A_97 : vector<16xf32>
    %lt3A_108 = arith.cmpi slt, %add3A_105, %select_n3A_98 : vector<16xi32>
    %and3A_109 = arith.andi %eq3A_107, %lt3A_108 : vector<16xi1>
    %or3A_110 = arith.ori %gt3A_106, %and3A_109 : vector<16xi1>
    %select_n3A_111 = arith.select %or3A_110, %parallel_loop3A_30#6, %select_n3A_97 : vector<16xi1>, vector<16xf32>
    %select_n3A_112 = arith.select %or3A_110, %add3A_105, %select_n3A_98 : vector<16xi1>, vector<16xi32>
    %mul3A_113 = arith.constant 128 : i32
    %mul3A_114 = vector.broadcast %mul3A_113 : i32 to vector<16xi32>
    %mul3A_115 = arith.muli %parallel_loop3A_30#15, %mul3A_114 : vector<16xi32>
    %add3A_116 = arith.constant 112 : i32
    %add3A_117 = vector.broadcast %add3A_116 : i32 to vector<16xi32>
    %add3A_118 = arith.addi %mul3A_115, %add3A_117 : vector<16xi32>
    %add3A_119 = arith.addi %add3A_118, %iota3A : vector<16xi32>
    %gt3A_120 = arith.cmpf ogt, %parallel_loop3A_30#7, %select_n3A_111 : vector<16xf32>
    %eq3A_121 = arith.cmpf oeq, %parallel_loop3A_30#7, %select_n3A_111 : vector<16xf32>
    %lt3A_122 = arith.cmpi slt, %add3A_119, %select_n3A_112 : vector<16xi32>
    %and3A_123 = arith.andi %eq3A_121, %lt3A_122 : vector<16xi1>
    %or3A_124 = arith.ori %gt3A_120, %and3A_123 : vector<16xi1>
    %select_n3A_125 = arith.select %or3A_124, %parallel_loop3A_30#7, %select_n3A_111 : vector<16xi1>, vector<16xf32>
    %select_n3A_126 = arith.select %or3A_124, %add3A_119, %select_n3A_112 : vector<16xi1>, vector<16xi32>
    %xor3A = arith.constant 8 : i32
    %xor3A_127 = vector.broadcast %xor3A : i32 to vector<16xi32>
    %xor3A_128 = arith.xori %iota3A, %xor3A_127 : vector<16xi32>
    %lt3A_129 = arith.constant 0 : i32
    %lt3A_130 = vector.broadcast %lt3A_129 : i32 to vector<16xi32>
    %lt3A_131 = arith.cmpi slt, %xor3A_128, %lt3A_130 : vector<16xi32>
    %add3A_132 = arith.constant 16 : i32
    %add3A_133 = vector.broadcast %add3A_132 : i32 to vector<16xi32>
    %add3A_134 = arith.addi %xor3A_128, %add3A_133 : vector<16xi32>
    %select_n3A_135 = arith.select %lt3A_131, %add3A_134, %xor3A_128 : vector<16xi1>, vector<16xi32>
    %broadcast_in_dim3A_136 = vector.shape_cast %select_n3A_135 : vector<16xi32> to vector<16x1xi32>
    %gather3A = vector.shape_cast %broadcast_in_dim3A_136 : vector<16x1xi32> to vector<16xi32>
    %gather3A_137 = tpu.dynamic_gather %select_n3A_125[%gather3A] in [0] : vector<16xf32>, vector<16xi32> -> vector<16xf32>
    %lt3A_138 = arith.constant 0 : i32
    %lt3A_139 = vector.broadcast %lt3A_138 : i32 to vector<16xi32>
    %lt3A_140 = arith.cmpi slt, %xor3A_128, %lt3A_139 : vector<16xi32>
    %add3A_141 = arith.constant 16 : i32
    %add3A_142 = vector.broadcast %add3A_141 : i32 to vector<16xi32>
    %add3A_143 = arith.addi %xor3A_128, %add3A_142 : vector<16xi32>
    %select_n3A_144 = arith.select %lt3A_140, %add3A_143, %xor3A_128 : vector<16xi1>, vector<16xi32>
    %broadcast_in_dim3A_145 = vector.shape_cast %select_n3A_144 : vector<16xi32> to vector<16x1xi32>
    %gather3A_146 = vector.shape_cast %broadcast_in_dim3A_145 : vector<16x1xi32> to vector<16xi32>
    %gather3A_147 = tpu.dynamic_gather %select_n3A_126[%gather3A_146] in [0] : vector<16xi32>, vector<16xi32> -> vector<16xi32>
    %gt3A_148 = arith.cmpf ogt, %gather3A_137, %select_n3A_125 : vector<16xf32>
    %eq3A_149 = arith.cmpf oeq, %gather3A_137, %select_n3A_125 : vector<16xf32>
    %lt3A_150 = arith.cmpi slt, %gather3A_147, %select_n3A_126 : vector<16xi32>
    %and3A_151 = arith.andi %eq3A_149, %lt3A_150 : vector<16xi1>
    %or3A_152 = arith.ori %gt3A_148, %and3A_151 : vector<16xi1>
    %select_n3A_153 = arith.select %or3A_152, %gather3A_137, %select_n3A_125 : vector<16xi1>, vector<16xf32>
    %select_n3A_154 = arith.select %or3A_152, %gather3A_147, %select_n3A_126 : vector<16xi1>, vector<16xi32>
    %xor3A_155 = arith.constant 4 : i32
    %xor3A_156 = vector.broadcast %xor3A_155 : i32 to vector<16xi32>
    %xor3A_157 = arith.xori %iota3A, %xor3A_156 : vector<16xi32>
    %lt3A_158 = arith.constant 0 : i32
    %lt3A_159 = vector.broadcast %lt3A_158 : i32 to vector<16xi32>
    %lt3A_160 = arith.cmpi slt, %xor3A_157, %lt3A_159 : vector<16xi32>
    %add3A_161 = arith.constant 16 : i32
    %add3A_162 = vector.broadcast %add3A_161 : i32 to vector<16xi32>
    %add3A_163 = arith.addi %xor3A_157, %add3A_162 : vector<16xi32>
    %select_n3A_164 = arith.select %lt3A_160, %add3A_163, %xor3A_157 : vector<16xi1>, vector<16xi32>
    %broadcast_in_dim3A_165 = vector.shape_cast %select_n3A_164 : vector<16xi32> to vector<16x1xi32>
    %gather3A_166 = vector.shape_cast %broadcast_in_dim3A_165 : vector<16x1xi32> to vector<16xi32>
    %gather3A_167 = tpu.dynamic_gather %select_n3A_153[%gather3A_166] in [0] : vector<16xf32>, vector<16xi32> -> vector<16xf32>
    %lt3A_168 = arith.constant 0 : i32
    %lt3A_169 = vector.broadcast %lt3A_168 : i32 to vector<16xi32>
    %lt3A_170 = arith.cmpi slt, %xor3A_157, %lt3A_169 : vector<16xi32>
    %add3A_171 = arith.constant 16 : i32
    %add3A_172 = vector.broadcast %add3A_171 : i32 to vector<16xi32>
    %add3A_173 = arith.addi %xor3A_157, %add3A_172 : vector<16xi32>
    %select_n3A_174 = arith.select %lt3A_170, %add3A_173, %xor3A_157 : vector<16xi1>, vector<16xi32>
    %broadcast_in_dim3A_175 = vector.shape_cast %select_n3A_174 : vector<16xi32> to vector<16x1xi32>
    %gather3A_176 = vector.shape_cast %broadcast_in_dim3A_175 : vector<16x1xi32> to vector<16xi32>
    %gather3A_177 = tpu.dynamic_gather %select_n3A_154[%gather3A_176] in [0] : vector<16xi32>, vector<16xi32> -> vector<16xi32>
    %gt3A_178 = arith.cmpf ogt, %gather3A_167, %select_n3A_153 : vector<16xf32>
    %eq3A_179 = arith.cmpf oeq, %gather3A_167, %select_n3A_153 : vector<16xf32>
    %lt3A_180 = arith.cmpi slt, %gather3A_177, %select_n3A_154 : vector<16xi32>
    %and3A_181 = arith.andi %eq3A_179, %lt3A_180 : vector<16xi1>
    %or3A_182 = arith.ori %gt3A_178, %and3A_181 : vector<16xi1>
    %select_n3A_183 = arith.select %or3A_182, %gather3A_167, %select_n3A_153 : vector<16xi1>, vector<16xf32>
    %select_n3A_184 = arith.select %or3A_182, %gather3A_177, %select_n3A_154 : vector<16xi1>, vector<16xi32>
    %xor3A_185 = arith.constant 2 : i32
    %xor3A_186 = vector.broadcast %xor3A_185 : i32 to vector<16xi32>
    %xor3A_187 = arith.xori %iota3A, %xor3A_186 : vector<16xi32>
    %lt3A_188 = arith.constant 0 : i32
    %lt3A_189 = vector.broadcast %lt3A_188 : i32 to vector<16xi32>
    %lt3A_190 = arith.cmpi slt, %xor3A_187, %lt3A_189 : vector<16xi32>
    %add3A_191 = arith.constant 16 : i32
    %add3A_192 = vector.broadcast %add3A_191 : i32 to vector<16xi32>
    %add3A_193 = arith.addi %xor3A_187, %add3A_192 : vector<16xi32>
    %select_n3A_194 = arith.select %lt3A_190, %add3A_193, %xor3A_187 : vector<16xi1>, vector<16xi32>
    %broadcast_in_dim3A_195 = vector.shape_cast %select_n3A_194 : vector<16xi32> to vector<16x1xi32>
    %gather3A_196 = vector.shape_cast %broadcast_in_dim3A_195 : vector<16x1xi32> to vector<16xi32>
    %gather3A_197 = tpu.dynamic_gather %select_n3A_183[%gather3A_196] in [0] : vector<16xf32>, vector<16xi32> -> vector<16xf32>
    %lt3A_198 = arith.constant 0 : i32
    %lt3A_199 = vector.broadcast %lt3A_198 : i32 to vector<16xi32>
    %lt3A_200 = arith.cmpi slt, %xor3A_187, %lt3A_199 : vector<16xi32>
    %add3A_201 = arith.constant 16 : i32
    %add3A_202 = vector.broadcast %add3A_201 : i32 to vector<16xi32>
    %add3A_203 = arith.addi %xor3A_187, %add3A_202 : vector<16xi32>
    %select_n3A_204 = arith.select %lt3A_200, %add3A_203, %xor3A_187 : vector<16xi1>, vector<16xi32>
    %broadcast_in_dim3A_205 = vector.shape_cast %select_n3A_204 : vector<16xi32> to vector<16x1xi32>
    %gather3A_206 = vector.shape_cast %broadcast_in_dim3A_205 : vector<16x1xi32> to vector<16xi32>
    %gather3A_207 = tpu.dynamic_gather %select_n3A_184[%gather3A_206] in [0] : vector<16xi32>, vector<16xi32> -> vector<16xi32>
    %gt3A_208 = arith.cmpf ogt, %gather3A_197, %select_n3A_183 : vector<16xf32>
    %eq3A_209 = arith.cmpf oeq, %gather3A_197, %select_n3A_183 : vector<16xf32>
    %lt3A_210 = arith.cmpi slt, %gather3A_207, %select_n3A_184 : vector<16xi32>
    %and3A_211 = arith.andi %eq3A_209, %lt3A_210 : vector<16xi1>
    %or3A_212 = arith.ori %gt3A_208, %and3A_211 : vector<16xi1>
    %select_n3A_213 = arith.select %or3A_212, %gather3A_197, %select_n3A_183 : vector<16xi1>, vector<16xf32>
    %select_n3A_214 = arith.select %or3A_212, %gather3A_207, %select_n3A_184 : vector<16xi1>, vector<16xi32>
    %xor3A_215 = arith.constant 1 : i32
    %xor3A_216 = vector.broadcast %xor3A_215 : i32 to vector<16xi32>
    %xor3A_217 = arith.xori %iota3A, %xor3A_216 : vector<16xi32>
    %lt3A_218 = arith.constant 0 : i32
    %lt3A_219 = vector.broadcast %lt3A_218 : i32 to vector<16xi32>
    %lt3A_220 = arith.cmpi slt, %xor3A_217, %lt3A_219 : vector<16xi32>
    %add3A_221 = arith.constant 16 : i32
    %add3A_222 = vector.broadcast %add3A_221 : i32 to vector<16xi32>
    %add3A_223 = arith.addi %xor3A_217, %add3A_222 : vector<16xi32>
    %select_n3A_224 = arith.select %lt3A_220, %add3A_223, %xor3A_217 : vector<16xi1>, vector<16xi32>
    %broadcast_in_dim3A_225 = vector.shape_cast %select_n3A_224 : vector<16xi32> to vector<16x1xi32>
    %gather3A_226 = vector.shape_cast %broadcast_in_dim3A_225 : vector<16x1xi32> to vector<16xi32>
    %gather3A_227 = tpu.dynamic_gather %select_n3A_213[%gather3A_226] in [0] : vector<16xf32>, vector<16xi32> -> vector<16xf32>
    %lt3A_228 = arith.constant 0 : i32
    %lt3A_229 = vector.broadcast %lt3A_228 : i32 to vector<16xi32>
    %lt3A_230 = arith.cmpi slt, %xor3A_217, %lt3A_229 : vector<16xi32>
    %add3A_231 = arith.constant 16 : i32
    %add3A_232 = vector.broadcast %add3A_231 : i32 to vector<16xi32>
    %add3A_233 = arith.addi %xor3A_217, %add3A_232 : vector<16xi32>
    %select_n3A_234 = arith.select %lt3A_230, %add3A_233, %xor3A_217 : vector<16xi1>, vector<16xi32>
    %broadcast_in_dim3A_235 = vector.shape_cast %select_n3A_234 : vector<16xi32> to vector<16x1xi32>
    %gather3A_236 = vector.shape_cast %broadcast_in_dim3A_235 : vector<16x1xi32> to vector<16xi32>
    %gather3A_237 = tpu.dynamic_gather %select_n3A_214[%gather3A_236] in [0] : vector<16xi32>, vector<16xi32> -> vector<16xi32>
    %gt3A_238 = arith.cmpf ogt, %gather3A_227, %select_n3A_213 : vector<16xf32>
    %eq3A_239 = arith.cmpf oeq, %gather3A_227, %select_n3A_213 : vector<16xf32>
    %lt3A_240 = arith.cmpi slt, %gather3A_237, %select_n3A_214 : vector<16xi32>
    %and3A_241 = arith.andi %eq3A_239, %lt3A_240 : vector<16xi1>
    %or3A_242 = arith.ori %gt3A_238, %and3A_241 : vector<16xi1>
    %select_n3A_243 = arith.select %or3A_242, %gather3A_227, %select_n3A_213 : vector<16xi1>, vector<16xf32>
    %select_n3A_244 = arith.select %or3A_242, %gather3A_237, %select_n3A_214 : vector<16xi1>, vector<16xi32>
    %add3A_245 = arith.constant 0 : i32
    %add3A_246 = arith.addi %add3A_4, %add3A_245 : i32
    %slice3A = vector.extract_strided_slice %select_n3A_244 {offsets = [0], sizes = [1], strides = [1]} : vector<16xi32> to vector<1xi32>
    %squeeze3A = vector.extract %slice3A[0] : i32 from vector<1xi32>
    %and3A_247 = arith.constant -8 : i32
    %and3A_248 = arith.andi %add3A_246, %and3A_247 : i32
    %multiple_of3A = tpu.assume_multiple %and3A_248, 8 : i32
    %and3A_249 = arith.constant -128 : i32
    %and3A_250 = arith.andi %squeeze3A, %and3A_249 : i32
    %multiple_of3A_251 = tpu.assume_multiple %and3A_250, 128 : i32
    %and3A_252 = arith.constant 7 : i32
    %and3A_253 = arith.andi %add3A_246, %and3A_252 : i32
    %and3A_254 = arith.constant 127 : i32
    %and3A_255 = arith.andi %squeeze3A, %and3A_254 : i32
    %dma_start3A_256 = arith.constant 0 : i32
    %dma_start3A_257 = arith.constant 0 : i32
    %dma_start3A_258 = arith.constant 0 : i32
    %dma_start3A_259 = tpu.memref_slice %arg7[%dma_start3A_256, %dma_start3A_257, %dma_start3A_258] : memref<3x8x128xf32, #tpu.memory_space<vmem>> -> memref<1x8x128xf32, #tpu.memory_space<vmem>>
    %dma_start3A_260 = tpu.memref_squeeze %dma_start3A_259 : memref<1x8x128xf32, #tpu.memory_space<vmem>> -> memref<8x128xf32, #tpu.memory_space<vmem>>
    %dma_start3A_261 = tpu.memref_slice %arg3[%multiple_of3A, %multiple_of3A_251] : memref<128x32768xf32, #tpu.memory_space<hbm>> -> memref<8x128xf32, #tpu.memory_space<hbm>>
    %dma_start3A_262 = arith.constant 0 : i32
    %dma_start3A_263 = arith.constant 0 : i32
    %dma_start3A_264 = tpu.memref_slice %arg7[%dma_start3A_256, %dma_start3A_262, %dma_start3A_263] : memref<3x8x128xf32, #tpu.memory_space<vmem>> -> memref<1x8x128xf32, #tpu.memory_space<vmem>>
    %dma_start3A_265 = tpu.memref_squeeze %dma_start3A_264 : memref<1x8x128xf32, #tpu.memory_space<vmem>> -> memref<8x128xf32, #tpu.memory_space<vmem>>
    %dma_start3A_266 = tpu.memref_slice %arg3[%multiple_of3A, %multiple_of3A_251] : memref<128x32768xf32, #tpu.memory_space<hbm>> -> memref<8x128xf32, #tpu.memory_space<hbm>>
    tpu.enqueue_dma source(%dma_start3A_266 : memref<8x128xf32, #tpu.memory_space<hbm>>) target(%dma_start3A_265 : memref<8x128xf32, #tpu.memory_space<vmem>>) target_semaphore(%arg11 : memref<!tpu.dma_semaphore, #tpu.memory_space<semaphore_mem>>)
    %add3A_267 = arith.constant 1 : i32
    %add3A_268 = arith.addi %add3A_4, %add3A_267 : i32
    %add3A_269 = arith.constant 1 : i32
    %add3A_270 = arith.addi %add3A_268, %add3A_269 : i32
    %dma_start3A_271 = arith.constant 0 : i32
    %dma_start3A_272 = tpu.memref_slice %arg2[%add3A_270, %dma_start3A_271] : memref<128x32768xf32, #tpu.memory_space<hbm>> -> memref<1x32768xf32, #tpu.memory_space<hbm>>
    %dma_start3A_273 = tpu.memref_squeeze %dma_start3A_272 : memref<1x32768xf32, #tpu.memory_space<hbm>> -> memref<32768xf32, #tpu.memory_space<hbm>>
    %dma_start3A_274 = arith.constant 0 : i32
    %dma_start3A_275 = tpu.memref_slice %arg2[%add3A_270, %dma_start3A_274] : memref<128x32768xf32, #tpu.memory_space<hbm>> -> memref<1x32768xf32, #tpu.memory_space<hbm>>
    %dma_start3A_276 = tpu.memref_squeeze %dma_start3A_275 : memref<1x32768xf32, #tpu.memory_space<hbm>> -> memref<32768xf32, #tpu.memory_space<hbm>>
    tpu.enqueue_dma source(%dma_start3A_276 : memref<32768xf32, #tpu.memory_space<hbm>>) target(%arg5 : memref<32768xf32, #tpu.memory_space<vmem>>) target_semaphore(%arg9 : memref<!tpu.dma_semaphore, #tpu.memory_space<semaphore_mem>>)
    %dma_wait3A_277 = arith.constant 0 : i32
    %dma_wait3A_278 = tpu.memref_slice %arg2[%add3A_13, %dma_wait3A_277] : memref<128x32768xf32, #tpu.memory_space<hbm>> -> memref<1x32768xf32, #tpu.memory_space<hbm>>
    %dma_wait3A_279 = tpu.memref_squeeze %dma_wait3A_278 : memref<1x32768xf32, #tpu.memory_space<hbm>> -> memref<32768xf32, #tpu.memory_space<hbm>>
    %dma_wait3A_280 = arith.constant 0 : i32
    %dma_wait3A_281 = tpu.memref_slice %arg2[%add3A_13, %dma_wait3A_280] : memref<128x32768xf32, #tpu.memory_space<hbm>> -> memref<1x32768xf32, #tpu.memory_space<hbm>>
    %dma_wait3A_282 = tpu.memref_squeeze %dma_wait3A_281 : memref<1x32768xf32, #tpu.memory_space<hbm>> -> memref<32768xf32, #tpu.memory_space<hbm>>
    tpu.wait_dma2 semaphore(%arg10 : memref<!tpu.dma_semaphore, #tpu.memory_space<semaphore_mem>>) src(%dma_wait3A_282 : memref<32768xf32, #tpu.memory_space<hbm>>) dst(%arg6 : memref<32768xf32, #tpu.memory_space<vmem>>)
    %broadcast_in_dim3A_283 = arith.constant 0xFF800000 : f32
    %broadcast_in_dim3A_284 = vector.broadcast %broadcast_in_dim3A_283 : f32 to vector<16xf32>
    %broadcast_in_dim3A_285 = arith.constant 0 : i32
    %broadcast_in_dim3A_286 = vector.broadcast %broadcast_in_dim3A_285 : i32 to vector<16xi32>
    %parallel_loop3A_287 = arith.constant 0 : i32
    %parallel_loop3A_288 = arith.constant 256 : i32
    %parallel_loop3A_289 = arith.constant 1 : i32
    %parallel_loop3A_290:16 = scf.for %parallel_loop3A_911 = %parallel_loop3A_287 to %parallel_loop3A_288 step %parallel_loop3A_289 iter_args(%parallel_loop3A_912 = %broadcast_in_dim3A_284, %parallel_loop3A_913 = %broadcast_in_dim3A_284, %parallel_loop3A_914 = %broadcast_in_dim3A_284, %parallel_loop3A_915 = %broadcast_in_dim3A_284, %parallel_loop3A_916 = %broadcast_in_dim3A_284, %parallel_loop3A_917 = %broadcast_in_dim3A_284, %parallel_loop3A_918 = %broadcast_in_dim3A_284, %parallel_loop3A_919 = %broadcast_in_dim3A_284, %parallel_loop3A_920 = %broadcast_in_dim3A_286, %parallel_loop3A_921 = %broadcast_in_dim3A_286, %parallel_loop3A_922 = %broadcast_in_dim3A_286, %parallel_loop3A_923 = %broadcast_in_dim3A_286, %parallel_loop3A_924 = %broadcast_in_dim3A_286, %parallel_loop3A_925 = %broadcast_in_dim3A_286, %parallel_loop3A_926 = %broadcast_in_dim3A_286, %parallel_loop3A_927 = %broadcast_in_dim3A_286) -> (vector<16xf32>, vector<16xf32>, vector<16xf32>, vector<16xf32>, vector<16xf32>, vector<16xf32>, vector<16xf32>, vector<16xf32>, vector<16xi32>, vector<16xi32>, vector<16xi32>, vector<16xi32>, vector<16xi32>, vector<16xi32>, vector<16xi32>, vector<16xi32>)  : i32 {
      %parallel_loop3A_928 = arith.constant 128 : i32
      %parallel_loop3A_929 = arith.muli %parallel_loop3A_911, %parallel_loop3A_928 : i32
      %parallel_loop3A_930 = vector.broadcast %parallel_loop3A_911 : i32 to vector<16xi32>
      %parallel_loop3A_931 = arith.constant 0 : i32
      %parallel_loop3A_932 = arith.addi %parallel_loop3A_929, %parallel_loop3A_931 : i32
      %parallel_loop3A_933 = arith.index_cast %parallel_loop3A_932 : i32 to index
      %parallel_loop3A_934 = tpu.vector_load %arg6[%parallel_loop3A_933] {strides = array<i32>} : memref<32768xf32, #tpu.memory_space<vmem>>, vector<16xf32>,
      %parallel_loop3A_935 = vector.shape_cast %parallel_loop3A_934 : vector<16xf32> to vector<16xf32>
      %parallel_loop3A_936 = arith.cmpf ogt, %parallel_loop3A_935, %parallel_loop3A_912 : vector<16xf32>
      %parallel_loop3A_937 = arith.select %parallel_loop3A_936, %parallel_loop3A_935, %parallel_loop3A_912 : vector<16xi1>, vector<16xf32>
      %parallel_loop3A_938 = arith.select %parallel_loop3A_936, %parallel_loop3A_930, %parallel_loop3A_920 : vector<16xi1>, vector<16xi32>
      %parallel_loop3A_939 = arith.constant 16 : i32
      %parallel_loop3A_940 = arith.addi %parallel_loop3A_929, %parallel_loop3A_939 : i32
      %parallel_loop3A_941 = arith.index_cast %parallel_loop3A_940 : i32 to index
      %parallel_loop3A_942 = tpu.vector_load %arg6[%parallel_loop3A_941] {strides = array<i32>} : memref<32768xf32, #tpu.memory_space<vmem>>, vector<16xf32>,
      %parallel_loop3A_943 = vector.shape_cast %parallel_loop3A_942 : vector<16xf32> to vector<16xf32>
      %parallel_loop3A_944 = arith.cmpf ogt, %parallel_loop3A_943, %parallel_loop3A_913 : vector<16xf32>
      %parallel_loop3A_945 = arith.select %parallel_loop3A_944, %parallel_loop3A_943, %parallel_loop3A_913 : vector<16xi1>, vector<16xf32>
      %parallel_loop3A_946 = arith.select %parallel_loop3A_944, %parallel_loop3A_930, %parallel_loop3A_921 : vector<16xi1>, vector<16xi32>
      %parallel_loop3A_947 = arith.constant 32 : i32
      %parallel_loop3A_948 = arith.addi %parallel_loop3A_929, %parallel_loop3A_947 : i32
      %parallel_loop3A_949 = arith.index_cast %parallel_loop3A_948 : i32 to index
      %parallel_loop3A_950 = tpu.vector_load %arg6[%parallel_loop3A_949] {strides = array<i32>} : memref<32768xf32, #tpu.memory_space<vmem>>, vector<16xf32>,
      %parallel_loop3A_951 = vector.shape_cast %parallel_loop3A_950 : vector<16xf32> to vector<16xf32>
      %parallel_loop3A_952 = arith.cmpf ogt, %parallel_loop3A_951, %parallel_loop3A_914 : vector<16xf32>
      %parallel_loop3A_953 = arith.select %parallel_loop3A_952, %parallel_loop3A_951, %parallel_loop3A_914 : vector<16xi1>, vector<16xf32>
      %parallel_loop3A_954 = arith.select %parallel_loop3A_952, %parallel_loop3A_930, %parallel_loop3A_922 : vector<16xi1>, vector<16xi32>
      %parallel_loop3A_955 = arith.constant 48 : i32
      %parallel_loop3A_956 = arith.addi %parallel_loop3A_929, %parallel_loop3A_955 : i32
      %parallel_loop3A_957 = arith.index_cast %parallel_loop3A_956 : i32 to index
      %parallel_loop3A_958 = tpu.vector_load %arg6[%parallel_loop3A_957] {strides = array<i32>} : memref<32768xf32, #tpu.memory_space<vmem>>, vector<16xf32>,
      %parallel_loop3A_959 = vector.shape_cast %parallel_loop3A_958 : vector<16xf32> to vector<16xf32>
      %parallel_loop3A_960 = arith.cmpf ogt, %parallel_loop3A_959, %parallel_loop3A_915 : vector<16xf32>
      %parallel_loop3A_961 = arith.select %parallel_loop3A_960, %parallel_loop3A_959, %parallel_loop3A_915 : vector<16xi1>, vector<16xf32>
      %parallel_loop3A_962 = arith.select %parallel_loop3A_960, %parallel_loop3A_930, %parallel_loop3A_923 : vector<16xi1>, vector<16xi32>
      %parallel_loop3A_963 = arith.constant 64 : i32
      %parallel_loop3A_964 = arith.addi %parallel_loop3A_929, %parallel_loop3A_963 : i32
      %parallel_loop3A_965 = arith.index_cast %parallel_loop3A_964 : i32 to index
      %parallel_loop3A_966 = tpu.vector_load %arg6[%parallel_loop3A_965] {strides = array<i32>} : memref<32768xf32, #tpu.memory_space<vmem>>, vector<16xf32>,
      %parallel_loop3A_967 = vector.shape_cast %parallel_loop3A_966 : vector<16xf32> to vector<16xf32>
      %parallel_loop3A_968 = arith.cmpf ogt, %parallel_loop3A_967, %parallel_loop3A_916 : vector<16xf32>
      %parallel_loop3A_969 = arith.select %parallel_loop3A_968, %parallel_loop3A_967, %parallel_loop3A_916 : vector<16xi1>, vector<16xf32>
      %parallel_loop3A_970 = arith.select %parallel_loop3A_968, %parallel_loop3A_930, %parallel_loop3A_924 : vector<16xi1>, vector<16xi32>
      %parallel_loop3A_971 = arith.constant 80 : i32
      %parallel_loop3A_972 = arith.addi %parallel_loop3A_929, %parallel_loop3A_971 : i32
      %parallel_loop3A_973 = arith.index_cast %parallel_loop3A_972 : i32 to index
      %parallel_loop3A_974 = tpu.vector_load %arg6[%parallel_loop3A_973] {strides = array<i32>} : memref<32768xf32, #tpu.memory_space<vmem>>, vector<16xf32>,
      %parallel_loop3A_975 = vector.shape_cast %parallel_loop3A_974 : vector<16xf32> to vector<16xf32>
      %parallel_loop3A_976 = arith.cmpf ogt, %parallel_loop3A_975, %parallel_loop3A_917 : vector<16xf32>
      %parallel_loop3A_977 = arith.select %parallel_loop3A_976, %parallel_loop3A_975, %parallel_loop3A_917 : vector<16xi1>, vector<16xf32>
      %parallel_loop3A_978 = arith.select %parallel_loop3A_976, %parallel_loop3A_930, %parallel_loop3A_925 : vector<16xi1>, vector<16xi32>
      %parallel_loop3A_979 = arith.constant 96 : i32
      %parallel_loop3A_980 = arith.addi %parallel_loop3A_929, %parallel_loop3A_979 : i32
      %parallel_loop3A_981 = arith.index_cast %parallel_loop3A_980 : i32 to index
      %parallel_loop3A_982 = tpu.vector_load %arg6[%parallel_loop3A_981] {strides = array<i32>} : memref<32768xf32, #tpu.memory_space<vmem>>, vector<16xf32>,
      %parallel_loop3A_983 = vector.shape_cast %parallel_loop3A_982 : vector<16xf32> to vector<16xf32>
      %parallel_loop3A_984 = arith.cmpf ogt, %parallel_loop3A_983, %parallel_loop3A_918 : vector<16xf32>
      %parallel_loop3A_985 = arith.select %parallel_loop3A_984, %parallel_loop3A_983, %parallel_loop3A_918 : vector<16xi1>, vector<16xf32>
      %parallel_loop3A_986 = arith.select %parallel_loop3A_984, %parallel_loop3A_930, %parallel_loop3A_926 : vector<16xi1>, vector<16xi32>
      %parallel_loop3A_987 = arith.constant 112 : i32
      %parallel_loop3A_988 = arith.addi %parallel_loop3A_929, %parallel_loop3A_987 : i32
      %parallel_loop3A_989 = arith.index_cast %parallel_loop3A_988 : i32 to index
      %parallel_loop3A_990 = tpu.vector_load %arg6[%parallel_loop3A_989] {strides = array<i32>} : memref<32768xf32, #tpu.memory_space<vmem>>, vector<16xf32>,
      %parallel_loop3A_991 = vector.shape_cast %parallel_loop3A_990 : vector<16xf32> to vector<16xf32>
      %parallel_loop3A_992 = arith.cmpf ogt, %parallel_loop3A_991, %parallel_loop3A_919 : vector<16xf32>
      %parallel_loop3A_993 = arith.select %parallel_loop3A_992, %parallel_loop3A_991, %parallel_loop3A_919 : vector<16xi1>, vector<16xf32>
      %parallel_loop3A_994 = arith.select %parallel_loop3A_992, %parallel_loop3A_930, %parallel_loop3A_927 : vector<16xi1>, vector<16xi32>
      scf.yield %parallel_loop3A_937, %parallel_loop3A_945, %parallel_loop3A_953, %parallel_loop3A_961, %parallel_loop3A_969, %parallel_loop3A_977, %parallel_loop3A_985, %parallel_loop3A_993, %parallel_loop3A_938, %parallel_loop3A_946, %parallel_loop3A_954, %parallel_loop3A_962, %parallel_loop3A_970, %parallel_loop3A_978, %parallel_loop3A_986, %parallel_loop3A_994 : vector<16xf32>, vector<16xf32>, vector<16xf32>, vector<16xf32>, vector<16xf32>, vector<16xf32>, vector<16xf32>, vector<16xf32>, vector<16xi32>, vector<16xi32>, vector<16xi32>, vector<16xi32>, vector<16xi32>, vector<16xi32>, vector<16xi32>, vector<16xi32>
    } {sc.loop_unroll_factor = 4 : i64, sc.parallel_access}
    %mul3A_291 = arith.constant 128 : i32
    %mul3A_292 = vector.broadcast %mul3A_291 : i32 to vector<16xi32>
    %mul3A_293 = arith.muli %parallel_loop3A_290#8, %mul3A_292 : vector<16xi32>
    %add3A_294 = arith.addi %mul3A_293, %iota3A : vector<16xi32>
    %mul3A_295 = arith.constant 128 : i32
    %mul3A_296 = vector.broadcast %mul3A_295 : i32 to vector<16xi32>
    %mul3A_297 = arith.muli %parallel_loop3A_290#9, %mul3A_296 : vector<16xi32>
    %add3A_298 = arith.constant 16 : i32
    %add3A_299 = vector.broadcast %add3A_298 : i32 to vector<16xi32>
    %add3A_300 = arith.addi %mul3A_297, %add3A_299 : vector<16xi32>
    %add3A_301 = arith.addi %add3A_300, %iota3A : vector<16xi32>
    %gt3A_302 = arith.cmpf ogt, %parallel_loop3A_290#1, %parallel_loop3A_290#0 : vector<16xf32>
    %eq3A_303 = arith.cmpf oeq, %parallel_loop3A_290#1, %parallel_loop3A_290#0 : vector<16xf32>
    %lt3A_304 = arith.cmpi slt, %add3A_301, %add3A_294 : vector<16xi32>
    %and3A_305 = arith.andi %eq3A_303, %lt3A_304 : vector<16xi1>
    %or3A_306 = arith.ori %gt3A_302, %and3A_305 : vector<16xi1>
    %select_n3A_307 = arith.select %or3A_306, %parallel_loop3A_290#1, %parallel_loop3A_290#0 : vector<16xi1>, vector<16xf32>
    %select_n3A_308 = arith.select %or3A_306, %add3A_301, %add3A_294 : vector<16xi1>, vector<16xi32>
    %mul3A_309 = arith.constant 128 : i32
    %mul3A_310 = vector.broadcast %mul3A_309 : i32 to vector<16xi32>
    %mul3A_311 = arith.muli %parallel_loop3A_290#10, %mul3A_310 : vector<16xi32>
    %add3A_312 = arith.constant 32 : i32
    %add3A_313 = vector.broadcast %add3A_312 : i32 to vector<16xi32>
    %add3A_314 = arith.addi %mul3A_311, %add3A_313 : vector<16xi32>
    %add3A_315 = arith.addi %add3A_314, %iota3A : vector<16xi32>
    %gt3A_316 = arith.cmpf ogt, %parallel_loop3A_290#2, %select_n3A_307 : vector<16xf32>
    %eq3A_317 = arith.cmpf oeq, %parallel_loop3A_290#2, %select_n3A_307 : vector<16xf32>
    %lt3A_318 = arith.cmpi slt, %add3A_315, %select_n3A_308 : vector<16xi32>
    %and3A_319 = arith.andi %eq3A_317, %lt3A_318 : vector<16xi1>
    %or3A_320 = arith.ori %gt3A_316, %and3A_319 : vector<16xi1>
    %select_n3A_321 = arith.select %or3A_320, %parallel_loop3A_290#2, %select_n3A_307 : vector<16xi1>, vector<16xf32>
    %select_n3A_322 = arith.select %or3A_320, %add3A_315, %select_n3A_308 : vector<16xi1>, vector<16xi32>
    %mul3A_323 = arith.constant 128 : i32
    %mul3A_324 = vector.broadcast %mul3A_323 : i32 to vector<16xi32>
    %mul3A_325 = arith.muli %parallel_loop3A_290#11, %mul3A_324 : vector<16xi32>
    %add3A_326 = arith.constant 48 : i32
    %add3A_327 = vector.broadcast %add3A_326 : i32 to vector<16xi32>
    %add3A_328 = arith.addi %mul3A_325, %add3A_327 : vector<16xi32>
    %add3A_329 = arith.addi %add3A_328, %iota3A : vector<16xi32>
    %gt3A_330 = arith.cmpf ogt, %parallel_loop3A_290#3, %select_n3A_321 : vector<16xf32>
    %eq3A_331 = arith.cmpf oeq, %parallel_loop3A_290#3, %select_n3A_321 : vector<16xf32>
    %lt3A_332 = arith.cmpi slt, %add3A_329, %select_n3A_322 : vector<16xi32>
    %and3A_333 = arith.andi %eq3A_331, %lt3A_332 : vector<16xi1>
    %or3A_334 = arith.ori %gt3A_330, %and3A_333 : vector<16xi1>
    %select_n3A_335 = arith.select %or3A_334, %parallel_loop3A_290#3, %select_n3A_321 : vector<16xi1>, vector<16xf32>
    %select_n3A_336 = arith.select %or3A_334, %add3A_329, %select_n3A_322 : vector<16xi1>, vector<16xi32>
    %mul3A_337 = arith.constant 128 : i32
    %mul3A_338 = vector.broadcast %mul3A_337 : i32 to vector<16xi32>
    %mul3A_339 = arith.muli %parallel_loop3A_290#12, %mul3A_338 : vector<16xi32>
    %add3A_340 = arith.constant 64 : i32
    %add3A_341 = vector.broadcast %add3A_340 : i32 to vector<16xi32>
    %add3A_342 = arith.addi %mul3A_339, %add3A_341 : vector<16xi32>
    %add3A_343 = arith.addi %add3A_342, %iota3A : vector<16xi32>
    %gt3A_344 = arith.cmpf ogt, %parallel_loop3A_290#4, %select_n3A_335 : vector<16xf32>
    %eq3A_345 = arith.cmpf oeq, %parallel_loop3A_290#4, %select_n3A_335 : vector<16xf32>
    %lt3A_346 = arith.cmpi slt, %add3A_343, %select_n3A_336 : vector<16xi32>
    %and3A_347 = arith.andi %eq3A_345, %lt3A_346 : vector<16xi1>
    %or3A_348 = arith.ori %gt3A_344, %and3A_347 : vector<16xi1>
    %select_n3A_349 = arith.select %or3A_348, %parallel_loop3A_290#4, %select_n3A_335 : vector<16xi1>, vector<16xf32>
    %select_n3A_350 = arith.select %or3A_348, %add3A_343, %select_n3A_336 : vector<16xi1>, vector<16xi32>
    %mul3A_351 = arith.constant 128 : i32
    %mul3A_352 = vector.broadcast %mul3A_351 : i32 to vector<16xi32>
    %mul3A_353 = arith.muli %parallel_loop3A_290#13, %mul3A_352 : vector<16xi32>
    %add3A_354 = arith.constant 80 : i32
    %add3A_355 = vector.broadcast %add3A_354 : i32 to vector<16xi32>
    %add3A_356 = arith.addi %mul3A_353, %add3A_355 : vector<16xi32>
    %add3A_357 = arith.addi %add3A_356, %iota3A : vector<16xi32>
    %gt3A_358 = arith.cmpf ogt, %parallel_loop3A_290#5, %select_n3A_349 : vector<16xf32>
    %eq3A_359 = arith.cmpf oeq, %parallel_loop3A_290#5, %select_n3A_349 : vector<16xf32>
    %lt3A_360 = arith.cmpi slt, %add3A_357, %select_n3A_350 : vector<16xi32>
    %and3A_361 = arith.andi %eq3A_359, %lt3A_360 : vector<16xi1>
    %or3A_362 = arith.ori %gt3A_358, %and3A_361 : vector<16xi1>
    %select_n3A_363 = arith.select %or3A_362, %parallel_loop3A_290#5, %select_n3A_349 : vector<16xi1>, vector<16xf32>
    %select_n3A_364 = arith.select %or3A_362, %add3A_357, %select_n3A_350 : vector<16xi1>, vector<16xi32>
    %mul3A_365 = arith.constant 128 : i32
    %mul3A_366 = vector.broadcast %mul3A_365 : i32 to vector<16xi32>
    %mul3A_367 = arith.muli %parallel_loop3A_290#14, %mul3A_366 : vector<16xi32>
    %add3A_368 = arith.constant 96 : i32
    %add3A_369 = vector.broadcast %add3A_368 : i32 to vector<16xi32>
    %add3A_370 = arith.addi %mul3A_367, %add3A_369 : vector<16xi32>
    %add3A_371 = arith.addi %add3A_370, %iota3A : vector<16xi32>
    %gt3A_372 = arith.cmpf ogt, %parallel_loop3A_290#6, %select_n3A_363 : vector<16xf32>
    %eq3A_373 = arith.cmpf oeq, %parallel_loop3A_290#6, %select_n3A_363 : vector<16xf32>
    %lt3A_374 = arith.cmpi slt, %add3A_371, %select_n3A_364 : vector<16xi32>
    %and3A_375 = arith.andi %eq3A_373, %lt3A_374 : vector<16xi1>
    %or3A_376 = arith.ori %gt3A_372, %and3A_375 : vector<16xi1>
    %select_n3A_377 = arith.select %or3A_376, %parallel_loop3A_290#6, %select_n3A_363 : vector<16xi1>, vector<16xf32>
    %select_n3A_378 = arith.select %or3A_376, %add3A_371, %select_n3A_364 : vector<16xi1>, vector<16xi32>
    %mul3A_379 = arith.constant 128 : i32
    %mul3A_380 = vector.broadcast %mul3A_379 : i32 to vector<16xi32>
    %mul3A_381 = arith.muli %parallel_loop3A_290#15, %mul3A_380 : vector<16xi32>
    %add3A_382 = arith.constant 112 : i32
    %add3A_383 = vector.broadcast %add3A_382 : i32 to vector<16xi32>
    %add3A_384 = arith.addi %mul3A_381, %add3A_383 : vector<16xi32>
    %add3A_385 = arith.addi %add3A_384, %iota3A : vector<16xi32>
    %gt3A_386 = arith.cmpf ogt, %parallel_loop3A_290#7, %select_n3A_377 : vector<16xf32>
    %eq3A_387 = arith.cmpf oeq, %parallel_loop3A_290#7, %select_n3A_377 : vector<16xf32>
    %lt3A_388 = arith.cmpi slt, %add3A_385, %select_n3A_378 : vector<16xi32>
    %and3A_389 = arith.andi %eq3A_387, %lt3A_388 : vector<16xi1>
    %or3A_390 = arith.ori %gt3A_386, %and3A_389 : vector<16xi1>
    %select_n3A_391 = arith.select %or3A_390, %parallel_loop3A_290#7, %select_n3A_377 : vector<16xi1>, vector<16xf32>
    %select_n3A_392 = arith.select %or3A_390, %add3A_385, %select_n3A_378 : vector<16xi1>, vector<16xi32>
    %xor3A_393 = arith.constant 8 : i32
    %xor3A_394 = vector.broadcast %xor3A_393 : i32 to vector<16xi32>
    %xor3A_395 = arith.xori %iota3A, %xor3A_394 : vector<16xi32>
    %lt3A_396 = arith.constant 0 : i32
    %lt3A_397 = vector.broadcast %lt3A_396 : i32 to vector<16xi32>
    %lt3A_398 = arith.cmpi slt, %xor3A_395, %lt3A_397 : vector<16xi32>
    %add3A_399 = arith.constant 16 : i32
    %add3A_400 = vector.broadcast %add3A_399 : i32 to vector<16xi32>
    %add3A_401 = arith.addi %xor3A_395, %add3A_400 : vector<16xi32>
    %select_n3A_402 = arith.select %lt3A_398, %add3A_401, %xor3A_395 : vector<16xi1>, vector<16xi32>
    %broadcast_in_dim3A_403 = vector.shape_cast %select_n3A_402 : vector<16xi32> to vector<16x1xi32>
    %gather3A_404 = vector.shape_cast %broadcast_in_dim3A_403 : vector<16x1xi32> to vector<16xi32>
    %gather3A_405 = tpu.dynamic_gather %select_n3A_391[%gather3A_404] in [0] : vector<16xf32>, vector<16xi32> -> vector<16xf32>
    %lt3A_406 = arith.constant 0 : i32
    %lt3A_407 = vector.broadcast %lt3A_406 : i32 to vector<16xi32>
    %lt3A_408 = arith.cmpi slt, %xor3A_395, %lt3A_407 : vector<16xi32>
    %add3A_409 = arith.constant 16 : i32
    %add3A_410 = vector.broadcast %add3A_409 : i32 to vector<16xi32>
    %add3A_411 = arith.addi %xor3A_395, %add3A_410 : vector<16xi32>
    %select_n3A_412 = arith.select %lt3A_408, %add3A_411, %xor3A_395 : vector<16xi1>, vector<16xi32>
    %broadcast_in_dim3A_413 = vector.shape_cast %select_n3A_412 : vector<16xi32> to vector<16x1xi32>
    %gather3A_414 = vector.shape_cast %broadcast_in_dim3A_413 : vector<16x1xi32> to vector<16xi32>
    %gather3A_415 = tpu.dynamic_gather %select_n3A_392[%gather3A_414] in [0] : vector<16xi32>, vector<16xi32> -> vector<16xi32>
    %gt3A_416 = arith.cmpf ogt, %gather3A_405, %select_n3A_391 : vector<16xf32>
    %eq3A_417 = arith.cmpf oeq, %gather3A_405, %select_n3A_391 : vector<16xf32>
    %lt3A_418 = arith.cmpi slt, %gather3A_415, %select_n3A_392 : vector<16xi32>
    %and3A_419 = arith.andi %eq3A_417, %lt3A_418 : vector<16xi1>
    %or3A_420 = arith.ori %gt3A_416, %and3A_419 : vector<16xi1>
    %select_n3A_421 = arith.select %or3A_420, %gather3A_405, %select_n3A_391 : vector<16xi1>, vector<16xf32>
    %select_n3A_422 = arith.select %or3A_420, %gather3A_415, %select_n3A_392 : vector<16xi1>, vector<16xi32>
    %xor3A_423 = arith.constant 4 : i32
    %xor3A_424 = vector.broadcast %xor3A_423 : i32 to vector<16xi32>
    %xor3A_425 = arith.xori %iota3A, %xor3A_424 : vector<16xi32>
    %lt3A_426 = arith.constant 0 : i32
    %lt3A_427 = vector.broadcast %lt3A_426 : i32 to vector<16xi32>
    %lt3A_428 = arith.cmpi slt, %xor3A_425, %lt3A_427 : vector<16xi32>
    %add3A_429 = arith.constant 16 : i32
    %add3A_430 = vector.broadcast %add3A_429 : i32 to vector<16xi32>
    %add3A_431 = arith.addi %xor3A_425, %add3A_430 : vector<16xi32>
    %select_n3A_432 = arith.select %lt3A_428, %add3A_431, %xor3A_425 : vector<16xi1>, vector<16xi32>
    %broadcast_in_dim3A_433 = vector.shape_cast %select_n3A_432 : vector<16xi32> to vector<16x1xi32>
    %gather3A_434 = vector.shape_cast %broadcast_in_dim3A_433 : vector<16x1xi32> to vector<16xi32>
    %gather3A_435 = tpu.dynamic_gather %select_n3A_421[%gather3A_434] in [0] : vector<16xf32>, vector<16xi32> -> vector<16xf32>
    %lt3A_436 = arith.constant 0 : i32
    %lt3A_437 = vector.broadcast %lt3A_436 : i32 to vector<16xi32>
    %lt3A_438 = arith.cmpi slt, %xor3A_425, %lt3A_437 : vector<16xi32>
    %add3A_439 = arith.constant 16 : i32
    %add3A_440 = vector.broadcast %add3A_439 : i32 to vector<16xi32>
    %add3A_441 = arith.addi %xor3A_425, %add3A_440 : vector<16xi32>
    %select_n3A_442 = arith.select %lt3A_438, %add3A_441, %xor3A_425 : vector<16xi1>, vector<16xi32>
    %broadcast_in_dim3A_443 = vector.shape_cast %select_n3A_442 : vector<16xi32> to vector<16x1xi32>
    %gather3A_444 = vector.shape_cast %broadcast_in_dim3A_443 : vector<16x1xi32> to vector<16xi32>
    %gather3A_445 = tpu.dynamic_gather %select_n3A_422[%gather3A_444] in [0] : vector<16xi32>, vector<16xi32> -> vector<16xi32>
    %gt3A_446 = arith.cmpf ogt, %gather3A_435, %select_n3A_421 : vector<16xf32>
    %eq3A_447 = arith.cmpf oeq, %gather3A_435, %select_n3A_421 : vector<16xf32>
    %lt3A_448 = arith.cmpi slt, %gather3A_445, %select_n3A_422 : vector<16xi32>
    %and3A_449 = arith.andi %eq3A_447, %lt3A_448 : vector<16xi1>
    %or3A_450 = arith.ori %gt3A_446, %and3A_449 : vector<16xi1>
    %select_n3A_451 = arith.select %or3A_450, %gather3A_435, %select_n3A_421 : vector<16xi1>, vector<16xf32>
    %select_n3A_452 = arith.select %or3A_450, %gather3A_445, %select_n3A_422 : vector<16xi1>, vector<16xi32>
    %xor3A_453 = arith.constant 2 : i32
    %xor3A_454 = vector.broadcast %xor3A_453 : i32 to vector<16xi32>
    %xor3A_455 = arith.xori %iota3A, %xor3A_454 : vector<16xi32>
    %lt3A_456 = arith.constant 0 : i32
    %lt3A_457 = vector.broadcast %lt3A_456 : i32 to vector<16xi32>
    %lt3A_458 = arith.cmpi slt, %xor3A_455, %lt3A_457 : vector<16xi32>
    %add3A_459 = arith.constant 16 : i32
    %add3A_460 = vector.broadcast %add3A_459 : i32 to vector<16xi32>
    %add3A_461 = arith.addi %xor3A_455, %add3A_460 : vector<16xi32>
    %select_n3A_462 = arith.select %lt3A_458, %add3A_461, %xor3A_455 : vector<16xi1>, vector<16xi32>
    %broadcast_in_dim3A_463 = vector.shape_cast %select_n3A_462 : vector<16xi32> to vector<16x1xi32>
    %gather3A_464 = vector.shape_cast %broadcast_in_dim3A_463 : vector<16x1xi32> to vector<16xi32>
    %gather3A_465 = tpu.dynamic_gather %select_n3A_451[%gather3A_464] in [0] : vector<16xf32>, vector<16xi32> -> vector<16xf32>
    %lt3A_466 = arith.constant 0 : i32
    %lt3A_467 = vector.broadcast %lt3A_466 : i32 to vector<16xi32>
    %lt3A_468 = arith.cmpi slt, %xor3A_455, %lt3A_467 : vector<16xi32>
    %add3A_469 = arith.constant 16 : i32
    %add3A_470 = vector.broadcast %add3A_469 : i32 to vector<16xi32>
    %add3A_471 = arith.addi %xor3A_455, %add3A_470 : vector<16xi32>
    %select_n3A_472 = arith.select %lt3A_468, %add3A_471, %xor3A_455 : vector<16xi1>, vector<16xi32>
    %broadcast_in_dim3A_473 = vector.shape_cast %select_n3A_472 : vector<16xi32> to vector<16x1xi32>
    %gather3A_474 = vector.shape_cast %broadcast_in_dim3A_473 : vector<16x1xi32> to vector<16xi32>
    %gather3A_475 = tpu.dynamic_gather %select_n3A_452[%gather3A_474] in [0] : vector<16xi32>, vector<16xi32> -> vector<16xi32>
    %gt3A_476 = arith.cmpf ogt, %gather3A_465, %select_n3A_451 : vector<16xf32>
    %eq3A_477 = arith.cmpf oeq, %gather3A_465, %select_n3A_451 : vector<16xf32>
    %lt3A_478 = arith.cmpi slt, %gather3A_475, %select_n3A_452 : vector<16xi32>
    %and3A_479 = arith.andi %eq3A_477, %lt3A_478 : vector<16xi1>
    %or3A_480 = arith.ori %gt3A_476, %and3A_479 : vector<16xi1>
    %select_n3A_481 = arith.select %or3A_480, %gather3A_465, %select_n3A_451 : vector<16xi1>, vector<16xf32>
    %select_n3A_482 = arith.select %or3A_480, %gather3A_475, %select_n3A_452 : vector<16xi1>, vector<16xi32>
    %xor3A_483 = arith.constant 1 : i32
    %xor3A_484 = vector.broadcast %xor3A_483 : i32 to vector<16xi32>
    %xor3A_485 = arith.xori %iota3A, %xor3A_484 : vector<16xi32>
    %lt3A_486 = arith.constant 0 : i32
    %lt3A_487 = vector.broadcast %lt3A_486 : i32 to vector<16xi32>
    %lt3A_488 = arith.cmpi slt, %xor3A_485, %lt3A_487 : vector<16xi32>
    %add3A_489 = arith.constant 16 : i32
    %add3A_490 = vector.broadcast %add3A_489 : i32 to vector<16xi32>
    %add3A_491 = arith.addi %xor3A_485, %add3A_490 : vector<16xi32>
    %select_n3A_492 = arith.select %lt3A_488, %add3A_491, %xor3A_485 : vector<16xi1>, vector<16xi32>
    %broadcast_in_dim3A_493 = vector.shape_cast %select_n3A_492 : vector<16xi32> to vector<16x1xi32>
    %gather3A_494 = vector.shape_cast %broadcast_in_dim3A_493 : vector<16x1xi32> to vector<16xi32>
    %gather3A_495 = tpu.dynamic_gather %select_n3A_481[%gather3A_494] in [0] : vector<16xf32>, vector<16xi32> -> vector<16xf32>
    %lt3A_496 = arith.constant 0 : i32
    %lt3A_497 = vector.broadcast %lt3A_496 : i32 to vector<16xi32>
    %lt3A_498 = arith.cmpi slt, %xor3A_485, %lt3A_497 : vector<16xi32>
    %add3A_499 = arith.constant 16 : i32
    %add3A_500 = vector.broadcast %add3A_499 : i32 to vector<16xi32>
    %add3A_501 = arith.addi %xor3A_485, %add3A_500 : vector<16xi32>
    %select_n3A_502 = arith.select %lt3A_498, %add3A_501, %xor3A_485 : vector<16xi1>, vector<16xi32>
    %broadcast_in_dim3A_503 = vector.shape_cast %select_n3A_502 : vector<16xi32> to vector<16x1xi32>
    %gather3A_504 = vector.shape_cast %broadcast_in_dim3A_503 : vector<16x1xi32> to vector<16xi32>
    %gather3A_505 = tpu.dynamic_gather %select_n3A_482[%gather3A_504] in [0] : vector<16xi32>, vector<16xi32> -> vector<16xi32>
    %gt3A_506 = arith.cmpf ogt, %gather3A_495, %select_n3A_481 : vector<16xf32>
    %eq3A_507 = arith.cmpf oeq, %gather3A_495, %select_n3A_481 : vector<16xf32>
    %lt3A_508 = arith.cmpi slt, %gather3A_505, %select_n3A_482 : vector<16xi32>
    %and3A_509 = arith.andi %eq3A_507, %lt3A_508 : vector<16xi1>
    %or3A_510 = arith.ori %gt3A_506, %and3A_509 : vector<16xi1>
    %select_n3A_511 = arith.select %or3A_510, %gather3A_495, %select_n3A_481 : vector<16xi1>, vector<16xf32>
    %select_n3A_512 = arith.select %or3A_510, %gather3A_505, %select_n3A_482 : vector<16xi1>, vector<16xi32>
    %add3A_513 = arith.constant 1 : i32
    %add3A_514 = arith.addi %add3A_4, %add3A_513 : i32
    %slice3A_515 = vector.extract_strided_slice %select_n3A_512 {offsets = [0], sizes = [1], strides = [1]} : vector<16xi32> to vector<1xi32>
    %squeeze3A_516 = vector.extract %slice3A_515[0] : i32 from vector<1xi32>
    %and3A_517 = arith.constant -8 : i32
    %and3A_518 = arith.andi %add3A_514, %and3A_517 : i32
    %multiple_of3A_519 = tpu.assume_multiple %and3A_518, 8 : i32
    %and3A_520 = arith.constant -128 : i32
    %and3A_521 = arith.andi %squeeze3A_516, %and3A_520 : i32
    %multiple_of3A_522 = tpu.assume_multiple %and3A_521, 128 : i32
    %and3A_523 = arith.constant 7 : i32
    %and3A_524 = arith.andi %add3A_514, %and3A_523 : i32
    %and3A_525 = arith.constant 127 : i32
    %and3A_526 = arith.andi %squeeze3A_516, %and3A_525 : i32
    %dma_start3A_527 = arith.constant 1 : i32
    %dma_start3A_528 = arith.constant 0 : i32
    %dma_start3A_529 = arith.constant 0 : i32
    %dma_start3A_530 = tpu.memref_slice %arg7[%dma_start3A_527, %dma_start3A_528, %dma_start3A_529] : memref<3x8x128xf32, #tpu.memory_space<vmem>> -> memref<1x8x128xf32, #tpu.memory_space<vmem>>
    %dma_start3A_531 = tpu.memref_squeeze %dma_start3A_530 : memref<1x8x128xf32, #tpu.memory_space<vmem>> -> memref<8x128xf32, #tpu.memory_space<vmem>>
    %dma_start3A_532 = tpu.memref_slice %arg3[%multiple_of3A_519, %multiple_of3A_522] : memref<128x32768xf32, #tpu.memory_space<hbm>> -> memref<8x128xf32, #tpu.memory_space<hbm>>
    %dma_start3A_533 = arith.constant 0 : i32
    %dma_start3A_534 = arith.constant 0 : i32
    %dma_start3A_535 = tpu.memref_slice %arg7[%dma_start3A_527, %dma_start3A_533, %dma_start3A_534] : memref<3x8x128xf32, #tpu.memory_space<vmem>> -> memref<1x8x128xf32, #tpu.memory_space<vmem>>
    %dma_start3A_536 = tpu.memref_squeeze %dma_start3A_535 : memref<1x8x128xf32, #tpu.memory_space<vmem>> -> memref<8x128xf32, #tpu.memory_space<vmem>>
    %dma_start3A_537 = tpu.memref_slice %arg3[%multiple_of3A_519, %multiple_of3A_522] : memref<128x32768xf32, #tpu.memory_space<hbm>> -> memref<8x128xf32, #tpu.memory_space<hbm>>
    tpu.enqueue_dma source(%dma_start3A_537 : memref<8x128xf32, #tpu.memory_space<hbm>>) target(%dma_start3A_536 : memref<8x128xf32, #tpu.memory_space<vmem>>) target_semaphore(%arg11 : memref<!tpu.dma_semaphore, #tpu.memory_space<semaphore_mem>>)
    %dma_wait3A_538 = arith.constant 0 : i32
    %dma_wait3A_539 = tpu.memref_slice %arg2[%add3A_270, %dma_wait3A_538] : memref<128x32768xf32, #tpu.memory_space<hbm>> -> memref<1x32768xf32, #tpu.memory_space<hbm>>
    %dma_wait3A_540 = tpu.memref_squeeze %dma_wait3A_539 : memref<1x32768xf32, #tpu.memory_space<hbm>> -> memref<32768xf32, #tpu.memory_space<hbm>>
    %dma_wait3A_541 = arith.constant 0 : i32
    %dma_wait3A_542 = tpu.memref_slice %arg2[%add3A_270, %dma_wait3A_541] : memref<128x32768xf32, #tpu.memory_space<hbm>> -> memref<1x32768xf32, #tpu.memory_space<hbm>>
    %dma_wait3A_543 = tpu.memref_squeeze %dma_wait3A_542 : memref<1x32768xf32, #tpu.memory_space<hbm>> -> memref<32768xf32, #tpu.memory_space<hbm>>
    tpu.wait_dma2 semaphore(%arg9 : memref<!tpu.dma_semaphore, #tpu.memory_space<semaphore_mem>>) src(%dma_wait3A_543 : memref<32768xf32, #tpu.memory_space<hbm>>) dst(%arg5 : memref<32768xf32, #tpu.memory_space<vmem>>)
    %broadcast_in_dim3A_544 = arith.constant 0xFF800000 : f32
    %broadcast_in_dim3A_545 = vector.broadcast %broadcast_in_dim3A_544 : f32 to vector<16xf32>
    %broadcast_in_dim3A_546 = arith.constant 0 : i32
    %broadcast_in_dim3A_547 = vector.broadcast %broadcast_in_dim3A_546 : i32 to vector<16xi32>
    %parallel_loop3A_548 = arith.constant 0 : i32
    %parallel_loop3A_549 = arith.constant 256 : i32
    %parallel_loop3A_550 = arith.constant 1 : i32
    %parallel_loop3A_551:16 = scf.for %parallel_loop3A_911 = %parallel_loop3A_548 to %parallel_loop3A_549 step %parallel_loop3A_550 iter_args(%parallel_loop3A_912 = %broadcast_in_dim3A_545, %parallel_loop3A_913 = %broadcast_in_dim3A_545, %parallel_loop3A_914 = %broadcast_in_dim3A_545, %parallel_loop3A_915 = %broadcast_in_dim3A_545, %parallel_loop3A_916 = %broadcast_in_dim3A_545, %parallel_loop3A_917 = %broadcast_in_dim3A_545, %parallel_loop3A_918 = %broadcast_in_dim3A_545, %parallel_loop3A_919 = %broadcast_in_dim3A_545, %parallel_loop3A_920 = %broadcast_in_dim3A_547, %parallel_loop3A_921 = %broadcast_in_dim3A_547, %parallel_loop3A_922 = %broadcast_in_dim3A_547, %parallel_loop3A_923 = %broadcast_in_dim3A_547, %parallel_loop3A_924 = %broadcast_in_dim3A_547, %parallel_loop3A_925 = %broadcast_in_dim3A_547, %parallel_loop3A_926 = %broadcast_in_dim3A_547, %parallel_loop3A_927 = %broadcast_in_dim3A_547) -> (vector<16xf32>, vector<16xf32>, vector<16xf32>, vector<16xf32>, vector<16xf32>, vector<16xf32>, vector<16xf32>, vector<16xf32>, vector<16xi32>, vector<16xi32>, vector<16xi32>, vector<16xi32>, vector<16xi32>, vector<16xi32>, vector<16xi32>, vector<16xi32>)  : i32 {
      %parallel_loop3A_928 = arith.constant 128 : i32
      %parallel_loop3A_929 = arith.muli %parallel_loop3A_911, %parallel_loop3A_928 : i32
      %parallel_loop3A_930 = vector.broadcast %parallel_loop3A_911 : i32 to vector<16xi32>
      %parallel_loop3A_931 = arith.constant 0 : i32
      %parallel_loop3A_932 = arith.addi %parallel_loop3A_929, %parallel_loop3A_931 : i32
      %parallel_loop3A_933 = arith.index_cast %parallel_loop3A_932 : i32 to index
      %parallel_loop3A_934 = tpu.vector_load %arg5[%parallel_loop3A_933] {strides = array<i32>} : memref<32768xf32, #tpu.memory_space<vmem>>, vector<16xf32>,
      %parallel_loop3A_935 = vector.shape_cast %parallel_loop3A_934 : vector<16xf32> to vector<16xf32>
      %parallel_loop3A_936 = arith.cmpf ogt, %parallel_loop3A_935, %parallel_loop3A_912 : vector<16xf32>
      %parallel_loop3A_937 = arith.select %parallel_loop3A_936, %parallel_loop3A_935, %parallel_loop3A_912 : vector<16xi1>, vector<16xf32>
      %parallel_loop3A_938 = arith.select %parallel_loop3A_936, %parallel_loop3A_930, %parallel_loop3A_920 : vector<16xi1>, vector<16xi32>
      %parallel_loop3A_939 = arith.constant 16 : i32
      %parallel_loop3A_940 = arith.addi %parallel_loop3A_929, %parallel_loop3A_939 : i32
      %parallel_loop3A_941 = arith.index_cast %parallel_loop3A_940 : i32 to index
      %parallel_loop3A_942 = tpu.vector_load %arg5[%parallel_loop3A_941] {strides = array<i32>} : memref<32768xf32, #tpu.memory_space<vmem>>, vector<16xf32>,
      %parallel_loop3A_943 = vector.shape_cast %parallel_loop3A_942 : vector<16xf32> to vector<16xf32>
      %parallel_loop3A_944 = arith.cmpf ogt, %parallel_loop3A_943, %parallel_loop3A_913 : vector<16xf32>
      %parallel_loop3A_945 = arith.select %parallel_loop3A_944, %parallel_loop3A_943, %parallel_loop3A_913 : vector<16xi1>, vector<16xf32>
      %parallel_loop3A_946 = arith.select %parallel_loop3A_944, %parallel_loop3A_930, %parallel_loop3A_921 : vector<16xi1>, vector<16xi32>
      %parallel_loop3A_947 = arith.constant 32 : i32
      %parallel_loop3A_948 = arith.addi %parallel_loop3A_929, %parallel_loop3A_947 : i32
      %parallel_loop3A_949 = arith.index_cast %parallel_loop3A_948 : i32 to index
      %parallel_loop3A_950 = tpu.vector_load %arg5[%parallel_loop3A_949] {strides = array<i32>} : memref<32768xf32, #tpu.memory_space<vmem>>, vector<16xf32>,
      %parallel_loop3A_951 = vector.shape_cast %parallel_loop3A_950 : vector<16xf32> to vector<16xf32>
      %parallel_loop3A_952 = arith.cmpf ogt, %parallel_loop3A_951, %parallel_loop3A_914 : vector<16xf32>
      %parallel_loop3A_953 = arith.select %parallel_loop3A_952, %parallel_loop3A_951, %parallel_loop3A_914 : vector<16xi1>, vector<16xf32>
      %parallel_loop3A_954 = arith.select %parallel_loop3A_952, %parallel_loop3A_930, %parallel_loop3A_922 : vector<16xi1>, vector<16xi32>
      %parallel_loop3A_955 = arith.constant 48 : i32
      %parallel_loop3A_956 = arith.addi %parallel_loop3A_929, %parallel_loop3A_955 : i32
      %parallel_loop3A_957 = arith.index_cast %parallel_loop3A_956 : i32 to index
      %parallel_loop3A_958 = tpu.vector_load %arg5[%parallel_loop3A_957] {strides = array<i32>} : memref<32768xf32, #tpu.memory_space<vmem>>, vector<16xf32>,
      %parallel_loop3A_959 = vector.shape_cast %parallel_loop3A_958 : vector<16xf32> to vector<16xf32>
      %parallel_loop3A_960 = arith.cmpf ogt, %parallel_loop3A_959, %parallel_loop3A_915 : vector<16xf32>
      %parallel_loop3A_961 = arith.select %parallel_loop3A_960, %parallel_loop3A_959, %parallel_loop3A_915 : vector<16xi1>, vector<16xf32>
      %parallel_loop3A_962 = arith.select %parallel_loop3A_960, %parallel_loop3A_930, %parallel_loop3A_923 : vector<16xi1>, vector<16xi32>
      %parallel_loop3A_963 = arith.constant 64 : i32
      %parallel_loop3A_964 = arith.addi %parallel_loop3A_929, %parallel_loop3A_963 : i32
      %parallel_loop3A_965 = arith.index_cast %parallel_loop3A_964 : i32 to index
      %parallel_loop3A_966 = tpu.vector_load %arg5[%parallel_loop3A_965] {strides = array<i32>} : memref<32768xf32, #tpu.memory_space<vmem>>, vector<16xf32>,
      %parallel_loop3A_967 = vector.shape_cast %parallel_loop3A_966 : vector<16xf32> to vector<16xf32>
      %parallel_loop3A_968 = arith.cmpf ogt, %parallel_loop3A_967, %parallel_loop3A_916 : vector<16xf32>
      %parallel_loop3A_969 = arith.select %parallel_loop3A_968, %parallel_loop3A_967, %parallel_loop3A_916 : vector<16xi1>, vector<16xf32>
      %parallel_loop3A_970 = arith.select %parallel_loop3A_968, %parallel_loop3A_930, %parallel_loop3A_924 : vector<16xi1>, vector<16xi32>
      %parallel_loop3A_971 = arith.constant 80 : i32
      %parallel_loop3A_972 = arith.addi %parallel_loop3A_929, %parallel_loop3A_971 : i32
      %parallel_loop3A_973 = arith.index_cast %parallel_loop3A_972 : i32 to index
      %parallel_loop3A_974 = tpu.vector_load %arg5[%parallel_loop3A_973] {strides = array<i32>} : memref<32768xf32, #tpu.memory_space<vmem>>, vector<16xf32>,
      %parallel_loop3A_975 = vector.shape_cast %parallel_loop3A_974 : vector<16xf32> to vector<16xf32>
      %parallel_loop3A_976 = arith.cmpf ogt, %parallel_loop3A_975, %parallel_loop3A_917 : vector<16xf32>
      %parallel_loop3A_977 = arith.select %parallel_loop3A_976, %parallel_loop3A_975, %parallel_loop3A_917 : vector<16xi1>, vector<16xf32>
      %parallel_loop3A_978 = arith.select %parallel_loop3A_976, %parallel_loop3A_930, %parallel_loop3A_925 : vector<16xi1>, vector<16xi32>
      %parallel_loop3A_979 = arith.constant 96 : i32
      %parallel_loop3A_980 = arith.addi %parallel_loop3A_929, %parallel_loop3A_979 : i32
      %parallel_loop3A_981 = arith.index_cast %parallel_loop3A_980 : i32 to index
      %parallel_loop3A_982 = tpu.vector_load %arg5[%parallel_loop3A_981] {strides = array<i32>} : memref<32768xf32, #tpu.memory_space<vmem>>, vector<16xf32>,
      %parallel_loop3A_983 = vector.shape_cast %parallel_loop3A_982 : vector<16xf32> to vector<16xf32>
      %parallel_loop3A_984 = arith.cmpf ogt, %parallel_loop3A_983, %parallel_loop3A_918 : vector<16xf32>
      %parallel_loop3A_985 = arith.select %parallel_loop3A_984, %parallel_loop3A_983, %parallel_loop3A_918 : vector<16xi1>, vector<16xf32>
      %parallel_loop3A_986 = arith.select %parallel_loop3A_984, %parallel_loop3A_930, %parallel_loop3A_926 : vector<16xi1>, vector<16xi32>
      %parallel_loop3A_987 = arith.constant 112 : i32
      %parallel_loop3A_988 = arith.addi %parallel_loop3A_929, %parallel_loop3A_987 : i32
      %parallel_loop3A_989 = arith.index_cast %parallel_loop3A_988 : i32 to index
      %parallel_loop3A_990 = tpu.vector_load %arg5[%parallel_loop3A_989] {strides = array<i32>} : memref<32768xf32, #tpu.memory_space<vmem>>, vector<16xf32>,
      %parallel_loop3A_991 = vector.shape_cast %parallel_loop3A_990 : vector<16xf32> to vector<16xf32>
      %parallel_loop3A_992 = arith.cmpf ogt, %parallel_loop3A_991, %parallel_loop3A_919 : vector<16xf32>
      %parallel_loop3A_993 = arith.select %parallel_loop3A_992, %parallel_loop3A_991, %parallel_loop3A_919 : vector<16xi1>, vector<16xf32>
      %parallel_loop3A_994 = arith.select %parallel_loop3A_992, %parallel_loop3A_930, %parallel_loop3A_927 : vector<16xi1>, vector<16xi32>
      scf.yield %parallel_loop3A_937, %parallel_loop3A_945, %parallel_loop3A_953, %parallel_loop3A_961, %parallel_loop3A_969, %parallel_loop3A_977, %parallel_loop3A_985, %parallel_loop3A_993, %parallel_loop3A_938, %parallel_loop3A_946, %parallel_loop3A_954, %parallel_loop3A_962, %parallel_loop3A_970, %parallel_loop3A_978, %parallel_loop3A_986, %parallel_loop3A_994 : vector<16xf32>, vector<16xf32>, vector<16xf32>, vector<16xf32>, vector<16xf32>, vector<16xf32>, vector<16xf32>, vector<16xf32>, vector<16xi32>, vector<16xi32>, vector<16xi32>, vector<16xi32>, vector<16xi32>, vector<16xi32>, vector<16xi32>, vector<16xi32>
    } {sc.loop_unroll_factor = 4 : i64, sc.parallel_access}
    %mul3A_552 = arith.constant 128 : i32
    %mul3A_553 = vector.broadcast %mul3A_552 : i32 to vector<16xi32>
    %mul3A_554 = arith.muli %parallel_loop3A_551#8, %mul3A_553 : vector<16xi32>
    %add3A_555 = arith.addi %mul3A_554, %iota3A : vector<16xi32>
    %mul3A_556 = arith.constant 128 : i32
    %mul3A_557 = vector.broadcast %mul3A_556 : i32 to vector<16xi32>
    %mul3A_558 = arith.muli %parallel_loop3A_551#9, %mul3A_557 : vector<16xi32>
    %add3A_559 = arith.constant 16 : i32
    %add3A_560 = vector.broadcast %add3A_559 : i32 to vector<16xi32>
    %add3A_561 = arith.addi %mul3A_558, %add3A_560 : vector<16xi32>
    %add3A_562 = arith.addi %add3A_561, %iota3A : vector<16xi32>
    %gt3A_563 = arith.cmpf ogt, %parallel_loop3A_551#1, %parallel_loop3A_551#0 : vector<16xf32>
    %eq3A_564 = arith.cmpf oeq, %parallel_loop3A_551#1, %parallel_loop3A_551#0 : vector<16xf32>
    %lt3A_565 = arith.cmpi slt, %add3A_562, %add3A_555 : vector<16xi32>
    %and3A_566 = arith.andi %eq3A_564, %lt3A_565 : vector<16xi1>
    %or3A_567 = arith.ori %gt3A_563, %and3A_566 : vector<16xi1>
    %select_n3A_568 = arith.select %or3A_567, %parallel_loop3A_551#1, %parallel_loop3A_551#0 : vector<16xi1>, vector<16xf32>
    %select_n3A_569 = arith.select %or3A_567, %add3A_562, %add3A_555 : vector<16xi1>, vector<16xi32>
    %mul3A_570 = arith.constant 128 : i32
    %mul3A_571 = vector.broadcast %mul3A_570 : i32 to vector<16xi32>
    %mul3A_572 = arith.muli %parallel_loop3A_551#10, %mul3A_571 : vector<16xi32>
    %add3A_573 = arith.constant 32 : i32
    %add3A_574 = vector.broadcast %add3A_573 : i32 to vector<16xi32>
    %add3A_575 = arith.addi %mul3A_572, %add3A_574 : vector<16xi32>
    %add3A_576 = arith.addi %add3A_575, %iota3A : vector<16xi32>
    %gt3A_577 = arith.cmpf ogt, %parallel_loop3A_551#2, %select_n3A_568 : vector<16xf32>
    %eq3A_578 = arith.cmpf oeq, %parallel_loop3A_551#2, %select_n3A_568 : vector<16xf32>
    %lt3A_579 = arith.cmpi slt, %add3A_576, %select_n3A_569 : vector<16xi32>
    %and3A_580 = arith.andi %eq3A_578, %lt3A_579 : vector<16xi1>
    %or3A_581 = arith.ori %gt3A_577, %and3A_580 : vector<16xi1>
    %select_n3A_582 = arith.select %or3A_581, %parallel_loop3A_551#2, %select_n3A_568 : vector<16xi1>, vector<16xf32>
    %select_n3A_583 = arith.select %or3A_581, %add3A_576, %select_n3A_569 : vector<16xi1>, vector<16xi32>
    %mul3A_584 = arith.constant 128 : i32
    %mul3A_585 = vector.broadcast %mul3A_584 : i32 to vector<16xi32>
    %mul3A_586 = arith.muli %parallel_loop3A_551#11, %mul3A_585 : vector<16xi32>
    %add3A_587 = arith.constant 48 : i32
    %add3A_588 = vector.broadcast %add3A_587 : i32 to vector<16xi32>
    %add3A_589 = arith.addi %mul3A_586, %add3A_588 : vector<16xi32>
    %add3A_590 = arith.addi %add3A_589, %iota3A : vector<16xi32>
    %gt3A_591 = arith.cmpf ogt, %parallel_loop3A_551#3, %select_n3A_582 : vector<16xf32>
    %eq3A_592 = arith.cmpf oeq, %parallel_loop3A_551#3, %select_n3A_582 : vector<16xf32>
    %lt3A_593 = arith.cmpi slt, %add3A_590, %select_n3A_583 : vector<16xi32>
    %and3A_594 = arith.andi %eq3A_592, %lt3A_593 : vector<16xi1>
    %or3A_595 = arith.ori %gt3A_591, %and3A_594 : vector<16xi1>
    %select_n3A_596 = arith.select %or3A_595, %parallel_loop3A_551#3, %select_n3A_582 : vector<16xi1>, vector<16xf32>
    %select_n3A_597 = arith.select %or3A_595, %add3A_590, %select_n3A_583 : vector<16xi1>, vector<16xi32>
    %mul3A_598 = arith.constant 128 : i32
    %mul3A_599 = vector.broadcast %mul3A_598 : i32 to vector<16xi32>
    %mul3A_600 = arith.muli %parallel_loop3A_551#12, %mul3A_599 : vector<16xi32>
    %add3A_601 = arith.constant 64 : i32
    %add3A_602 = vector.broadcast %add3A_601 : i32 to vector<16xi32>
    %add3A_603 = arith.addi %mul3A_600, %add3A_602 : vector<16xi32>
    %add3A_604 = arith.addi %add3A_603, %iota3A : vector<16xi32>
    %gt3A_605 = arith.cmpf ogt, %parallel_loop3A_551#4, %select_n3A_596 : vector<16xf32>
    %eq3A_606 = arith.cmpf oeq, %parallel_loop3A_551#4, %select_n3A_596 : vector<16xf32>
    %lt3A_607 = arith.cmpi slt, %add3A_604, %select_n3A_597 : vector<16xi32>
    %and3A_608 = arith.andi %eq3A_606, %lt3A_607 : vector<16xi1>
    %or3A_609 = arith.ori %gt3A_605, %and3A_608 : vector<16xi1>
    %select_n3A_610 = arith.select %or3A_609, %parallel_loop3A_551#4, %select_n3A_596 : vector<16xi1>, vector<16xf32>
    %select_n3A_611 = arith.select %or3A_609, %add3A_604, %select_n3A_597 : vector<16xi1>, vector<16xi32>
    %mul3A_612 = arith.constant 128 : i32
    %mul3A_613 = vector.broadcast %mul3A_612 : i32 to vector<16xi32>
    %mul3A_614 = arith.muli %parallel_loop3A_551#13, %mul3A_613 : vector<16xi32>
    %add3A_615 = arith.constant 80 : i32
    %add3A_616 = vector.broadcast %add3A_615 : i32 to vector<16xi32>
    %add3A_617 = arith.addi %mul3A_614, %add3A_616 : vector<16xi32>
    %add3A_618 = arith.addi %add3A_617, %iota3A : vector<16xi32>
    %gt3A_619 = arith.cmpf ogt, %parallel_loop3A_551#5, %select_n3A_610 : vector<16xf32>
    %eq3A_620 = arith.cmpf oeq, %parallel_loop3A_551#5, %select_n3A_610 : vector<16xf32>
    %lt3A_621 = arith.cmpi slt, %add3A_618, %select_n3A_611 : vector<16xi32>
    %and3A_622 = arith.andi %eq3A_620, %lt3A_621 : vector<16xi1>
    %or3A_623 = arith.ori %gt3A_619, %and3A_622 : vector<16xi1>
    %select_n3A_624 = arith.select %or3A_623, %parallel_loop3A_551#5, %select_n3A_610 : vector<16xi1>, vector<16xf32>
    %select_n3A_625 = arith.select %or3A_623, %add3A_618, %select_n3A_611 : vector<16xi1>, vector<16xi32>
    %mul3A_626 = arith.constant 128 : i32
    %mul3A_627 = vector.broadcast %mul3A_626 : i32 to vector<16xi32>
    %mul3A_628 = arith.muli %parallel_loop3A_551#14, %mul3A_627 : vector<16xi32>
    %add3A_629 = arith.constant 96 : i32
    %add3A_630 = vector.broadcast %add3A_629 : i32 to vector<16xi32>
    %add3A_631 = arith.addi %mul3A_628, %add3A_630 : vector<16xi32>
    %add3A_632 = arith.addi %add3A_631, %iota3A : vector<16xi32>
    %gt3A_633 = arith.cmpf ogt, %parallel_loop3A_551#6, %select_n3A_624 : vector<16xf32>
    %eq3A_634 = arith.cmpf oeq, %parallel_loop3A_551#6, %select_n3A_624 : vector<16xf32>
    %lt3A_635 = arith.cmpi slt, %add3A_632, %select_n3A_625 : vector<16xi32>
    %and3A_636 = arith.andi %eq3A_634, %lt3A_635 : vector<16xi1>
    %or3A_637 = arith.ori %gt3A_633, %and3A_636 : vector<16xi1>
    %select_n3A_638 = arith.select %or3A_637, %parallel_loop3A_551#6, %select_n3A_624 : vector<16xi1>, vector<16xf32>
    %select_n3A_639 = arith.select %or3A_637, %add3A_632, %select_n3A_625 : vector<16xi1>, vector<16xi32>
    %mul3A_640 = arith.constant 128 : i32
    %mul3A_641 = vector.broadcast %mul3A_640 : i32 to vector<16xi32>
    %mul3A_642 = arith.muli %parallel_loop3A_551#15, %mul3A_641 : vector<16xi32>
    %add3A_643 = arith.constant 112 : i32
    %add3A_644 = vector.broadcast %add3A_643 : i32 to vector<16xi32>
    %add3A_645 = arith.addi %mul3A_642, %add3A_644 : vector<16xi32>
    %add3A_646 = arith.addi %add3A_645, %iota3A : vector<16xi32>
    %gt3A_647 = arith.cmpf ogt, %parallel_loop3A_551#7, %select_n3A_638 : vector<16xf32>
    %eq3A_648 = arith.cmpf oeq, %parallel_loop3A_551#7, %select_n3A_638 : vector<16xf32>
    %lt3A_649 = arith.cmpi slt, %add3A_646, %select_n3A_639 : vector<16xi32>
    %and3A_650 = arith.andi %eq3A_648, %lt3A_649 : vector<16xi1>
    %or3A_651 = arith.ori %gt3A_647, %and3A_650 : vector<16xi1>
    %select_n3A_652 = arith.select %or3A_651, %parallel_loop3A_551#7, %select_n3A_638 : vector<16xi1>, vector<16xf32>
    %select_n3A_653 = arith.select %or3A_651, %add3A_646, %select_n3A_639 : vector<16xi1>, vector<16xi32>
    %xor3A_654 = arith.constant 8 : i32
    %xor3A_655 = vector.broadcast %xor3A_654 : i32 to vector<16xi32>
    %xor3A_656 = arith.xori %iota3A, %xor3A_655 : vector<16xi32>
    %lt3A_657 = arith.constant 0 : i32
    %lt3A_658 = vector.broadcast %lt3A_657 : i32 to vector<16xi32>
    %lt3A_659 = arith.cmpi slt, %xor3A_656, %lt3A_658 : vector<16xi32>
    %add3A_660 = arith.constant 16 : i32
    %add3A_661 = vector.broadcast %add3A_660 : i32 to vector<16xi32>
    %add3A_662 = arith.addi %xor3A_656, %add3A_661 : vector<16xi32>
    %select_n3A_663 = arith.select %lt3A_659, %add3A_662, %xor3A_656 : vector<16xi1>, vector<16xi32>
    %broadcast_in_dim3A_664 = vector.shape_cast %select_n3A_663 : vector<16xi32> to vector<16x1xi32>
    %gather3A_665 = vector.shape_cast %broadcast_in_dim3A_664 : vector<16x1xi32> to vector<16xi32>
    %gather3A_666 = tpu.dynamic_gather %select_n3A_652[%gather3A_665] in [0] : vector<16xf32>, vector<16xi32> -> vector<16xf32>
    %lt3A_667 = arith.constant 0 : i32
    %lt3A_668 = vector.broadcast %lt3A_667 : i32 to vector<16xi32>
    %lt3A_669 = arith.cmpi slt, %xor3A_656, %lt3A_668 : vector<16xi32>
    %add3A_670 = arith.constant 16 : i32
    %add3A_671 = vector.broadcast %add3A_670 : i32 to vector<16xi32>
    %add3A_672 = arith.addi %xor3A_656, %add3A_671 : vector<16xi32>
    %select_n3A_673 = arith.select %lt3A_669, %add3A_672, %xor3A_656 : vector<16xi1>, vector<16xi32>
    %broadcast_in_dim3A_674 = vector.shape_cast %select_n3A_673 : vector<16xi32> to vector<16x1xi32>
    %gather3A_675 = vector.shape_cast %broadcast_in_dim3A_674 : vector<16x1xi32> to vector<16xi32>
    %gather3A_676 = tpu.dynamic_gather %select_n3A_653[%gather3A_675] in [0] : vector<16xi32>, vector<16xi32> -> vector<16xi32>
    %gt3A_677 = arith.cmpf ogt, %gather3A_666, %select_n3A_652 : vector<16xf32>
    %eq3A_678 = arith.cmpf oeq, %gather3A_666, %select_n3A_652 : vector<16xf32>
    %lt3A_679 = arith.cmpi slt, %gather3A_676, %select_n3A_653 : vector<16xi32>
    %and3A_680 = arith.andi %eq3A_678, %lt3A_679 : vector<16xi1>
    %or3A_681 = arith.ori %gt3A_677, %and3A_680 : vector<16xi1>
    %select_n3A_682 = arith.select %or3A_681, %gather3A_666, %select_n3A_652 : vector<16xi1>, vector<16xf32>
    %select_n3A_683 = arith.select %or3A_681, %gather3A_676, %select_n3A_653 : vector<16xi1>, vector<16xi32>
    %xor3A_684 = arith.constant 4 : i32
    %xor3A_685 = vector.broadcast %xor3A_684 : i32 to vector<16xi32>
    %xor3A_686 = arith.xori %iota3A, %xor3A_685 : vector<16xi32>
    %lt3A_687 = arith.constant 0 : i32
    %lt3A_688 = vector.broadcast %lt3A_687 : i32 to vector<16xi32>
    %lt3A_689 = arith.cmpi slt, %xor3A_686, %lt3A_688 : vector<16xi32>
    %add3A_690 = arith.constant 16 : i32
    %add3A_691 = vector.broadcast %add3A_690 : i32 to vector<16xi32>
    %add3A_692 = arith.addi %xor3A_686, %add3A_691 : vector<16xi32>
    %select_n3A_693 = arith.select %lt3A_689, %add3A_692, %xor3A_686 : vector<16xi1>, vector<16xi32>
    %broadcast_in_dim3A_694 = vector.shape_cast %select_n3A_693 : vector<16xi32> to vector<16x1xi32>
    %gather3A_695 = vector.shape_cast %broadcast_in_dim3A_694 : vector<16x1xi32> to vector<16xi32>
    %gather3A_696 = tpu.dynamic_gather %select_n3A_682[%gather3A_695] in [0] : vector<16xf32>, vector<16xi32> -> vector<16xf32>
    %lt3A_697 = arith.constant 0 : i32
    %lt3A_698 = vector.broadcast %lt3A_697 : i32 to vector<16xi32>
    %lt3A_699 = arith.cmpi slt, %xor3A_686, %lt3A_698 : vector<16xi32>
    %add3A_700 = arith.constant 16 : i32
    %add3A_701 = vector.broadcast %add3A_700 : i32 to vector<16xi32>
    %add3A_702 = arith.addi %xor3A_686, %add3A_701 : vector<16xi32>
    %select_n3A_703 = arith.select %lt3A_699, %add3A_702, %xor3A_686 : vector<16xi1>, vector<16xi32>
    %broadcast_in_dim3A_704 = vector.shape_cast %select_n3A_703 : vector<16xi32> to vector<16x1xi32>
    %gather3A_705 = vector.shape_cast %broadcast_in_dim3A_704 : vector<16x1xi32> to vector<16xi32>
    %gather3A_706 = tpu.dynamic_gather %select_n3A_683[%gather3A_705] in [0] : vector<16xi32>, vector<16xi32> -> vector<16xi32>
    %gt3A_707 = arith.cmpf ogt, %gather3A_696, %select_n3A_682 : vector<16xf32>
    %eq3A_708 = arith.cmpf oeq, %gather3A_696, %select_n3A_682 : vector<16xf32>
    %lt3A_709 = arith.cmpi slt, %gather3A_706, %select_n3A_683 : vector<16xi32>
    %and3A_710 = arith.andi %eq3A_708, %lt3A_709 : vector<16xi1>
    %or3A_711 = arith.ori %gt3A_707, %and3A_710 : vector<16xi1>
    %select_n3A_712 = arith.select %or3A_711, %gather3A_696, %select_n3A_682 : vector<16xi1>, vector<16xf32>
    %select_n3A_713 = arith.select %or3A_711, %gather3A_706, %select_n3A_683 : vector<16xi1>, vector<16xi32>
    %xor3A_714 = arith.constant 2 : i32
    %xor3A_715 = vector.broadcast %xor3A_714 : i32 to vector<16xi32>
    %xor3A_716 = arith.xori %iota3A, %xor3A_715 : vector<16xi32>
    %lt3A_717 = arith.constant 0 : i32
    %lt3A_718 = vector.broadcast %lt3A_717 : i32 to vector<16xi32>
    %lt3A_719 = arith.cmpi slt, %xor3A_716, %lt3A_718 : vector<16xi32>
    %add3A_720 = arith.constant 16 : i32
    %add3A_721 = vector.broadcast %add3A_720 : i32 to vector<16xi32>
    %add3A_722 = arith.addi %xor3A_716, %add3A_721 : vector<16xi32>
    %select_n3A_723 = arith.select %lt3A_719, %add3A_722, %xor3A_716 : vector<16xi1>, vector<16xi32>
    %broadcast_in_dim3A_724 = vector.shape_cast %select_n3A_723 : vector<16xi32> to vector<16x1xi32>
    %gather3A_725 = vector.shape_cast %broadcast_in_dim3A_724 : vector<16x1xi32> to vector<16xi32>
    %gather3A_726 = tpu.dynamic_gather %select_n3A_712[%gather3A_725] in [0] : vector<16xf32>, vector<16xi32> -> vector<16xf32>
    %lt3A_727 = arith.constant 0 : i32
    %lt3A_728 = vector.broadcast %lt3A_727 : i32 to vector<16xi32>
    %lt3A_729 = arith.cmpi slt, %xor3A_716, %lt3A_728 : vector<16xi32>
    %add3A_730 = arith.constant 16 : i32
    %add3A_731 = vector.broadcast %add3A_730 : i32 to vector<16xi32>
    %add3A_732 = arith.addi %xor3A_716, %add3A_731 : vector<16xi32>
    %select_n3A_733 = arith.select %lt3A_729, %add3A_732, %xor3A_716 : vector<16xi1>, vector<16xi32>
    %broadcast_in_dim3A_734 = vector.shape_cast %select_n3A_733 : vector<16xi32> to vector<16x1xi32>
    %gather3A_735 = vector.shape_cast %broadcast_in_dim3A_734 : vector<16x1xi32> to vector<16xi32>
    %gather3A_736 = tpu.dynamic_gather %select_n3A_713[%gather3A_735] in [0] : vector<16xi32>, vector<16xi32> -> vector<16xi32>
    %gt3A_737 = arith.cmpf ogt, %gather3A_726, %select_n3A_712 : vector<16xf32>
    %eq3A_738 = arith.cmpf oeq, %gather3A_726, %select_n3A_712 : vector<16xf32>
    %lt3A_739 = arith.cmpi slt, %gather3A_736, %select_n3A_713 : vector<16xi32>
    %and3A_740 = arith.andi %eq3A_738, %lt3A_739 : vector<16xi1>
    %or3A_741 = arith.ori %gt3A_737, %and3A_740 : vector<16xi1>
    %select_n3A_742 = arith.select %or3A_741, %gather3A_726, %select_n3A_712 : vector<16xi1>, vector<16xf32>
    %select_n3A_743 = arith.select %or3A_741, %gather3A_736, %select_n3A_713 : vector<16xi1>, vector<16xi32>
    %xor3A_744 = arith.constant 1 : i32
    %xor3A_745 = vector.broadcast %xor3A_744 : i32 to vector<16xi32>
    %xor3A_746 = arith.xori %iota3A, %xor3A_745 : vector<16xi32>
    %lt3A_747 = arith.constant 0 : i32
    %lt3A_748 = vector.broadcast %lt3A_747 : i32 to vector<16xi32>
    %lt3A_749 = arith.cmpi slt, %xor3A_746, %lt3A_748 : vector<16xi32>
    %add3A_750 = arith.constant 16 : i32
    %add3A_751 = vector.broadcast %add3A_750 : i32 to vector<16xi32>
    %add3A_752 = arith.addi %xor3A_746, %add3A_751 : vector<16xi32>
    %select_n3A_753 = arith.select %lt3A_749, %add3A_752, %xor3A_746 : vector<16xi1>, vector<16xi32>
    %broadcast_in_dim3A_754 = vector.shape_cast %select_n3A_753 : vector<16xi32> to vector<16x1xi32>
    %gather3A_755 = vector.shape_cast %broadcast_in_dim3A_754 : vector<16x1xi32> to vector<16xi32>
    %gather3A_756 = tpu.dynamic_gather %select_n3A_742[%gather3A_755] in [0] : vector<16xf32>, vector<16xi32> -> vector<16xf32>
    %lt3A_757 = arith.constant 0 : i32
    %lt3A_758 = vector.broadcast %lt3A_757 : i32 to vector<16xi32>
    %lt3A_759 = arith.cmpi slt, %xor3A_746, %lt3A_758 : vector<16xi32>
    %add3A_760 = arith.constant 16 : i32
    %add3A_761 = vector.broadcast %add3A_760 : i32 to vector<16xi32>
    %add3A_762 = arith.addi %xor3A_746, %add3A_761 : vector<16xi32>
    %select_n3A_763 = arith.select %lt3A_759, %add3A_762, %xor3A_746 : vector<16xi1>, vector<16xi32>
    %broadcast_in_dim3A_764 = vector.shape_cast %select_n3A_763 : vector<16xi32> to vector<16x1xi32>
    %gather3A_765 = vector.shape_cast %broadcast_in_dim3A_764 : vector<16x1xi32> to vector<16xi32>
    %gather3A_766 = tpu.dynamic_gather %select_n3A_743[%gather3A_765] in [0] : vector<16xi32>, vector<16xi32> -> vector<16xi32>
    %gt3A_767 = arith.cmpf ogt, %gather3A_756, %select_n3A_742 : vector<16xf32>
    %eq3A_768 = arith.cmpf oeq, %gather3A_756, %select_n3A_742 : vector<16xf32>
    %lt3A_769 = arith.cmpi slt, %gather3A_766, %select_n3A_743 : vector<16xi32>
    %and3A_770 = arith.andi %eq3A_768, %lt3A_769 : vector<16xi1>
    %or3A_771 = arith.ori %gt3A_767, %and3A_770 : vector<16xi1>
    %select_n3A_772 = arith.select %or3A_771, %gather3A_756, %select_n3A_742 : vector<16xi1>, vector<16xf32>
    %select_n3A_773 = arith.select %or3A_771, %gather3A_766, %select_n3A_743 : vector<16xi1>, vector<16xi32>
    %add3A_774 = arith.constant 2 : i32
    %add3A_775 = arith.addi %add3A_4, %add3A_774 : i32
    %slice3A_776 = vector.extract_strided_slice %select_n3A_773 {offsets = [0], sizes = [1], strides = [1]} : vector<16xi32> to vector<1xi32>
    %squeeze3A_777 = vector.extract %slice3A_776[0] : i32 from vector<1xi32>
    %and3A_778 = arith.constant -8 : i32
    %and3A_779 = arith.andi %add3A_775, %and3A_778 : i32
    %multiple_of3A_780 = tpu.assume_multiple %and3A_779, 8 : i32
    %and3A_781 = arith.constant -128 : i32
    %and3A_782 = arith.andi %squeeze3A_777, %and3A_781 : i32
    %multiple_of3A_783 = tpu.assume_multiple %and3A_782, 128 : i32
    %and3A_784 = arith.constant 7 : i32
    %and3A_785 = arith.andi %add3A_775, %and3A_784 : i32
    %and3A_786 = arith.constant 127 : i32
    %and3A_787 = arith.andi %squeeze3A_777, %and3A_786 : i32
    %dma_start3A_788 = arith.constant 2 : i32
    %dma_start3A_789 = arith.constant 0 : i32
    %dma_start3A_790 = arith.constant 0 : i32
    %dma_start3A_791 = tpu.memref_slice %arg7[%dma_start3A_788, %dma_start3A_789, %dma_start3A_790] : memref<3x8x128xf32, #tpu.memory_space<vmem>> -> memref<1x8x128xf32, #tpu.memory_space<vmem>>
    %dma_start3A_792 = tpu.memref_squeeze %dma_start3A_791 : memref<1x8x128xf32, #tpu.memory_space<vmem>> -> memref<8x128xf32, #tpu.memory_space<vmem>>
    %dma_start3A_793 = tpu.memref_slice %arg3[%multiple_of3A_780, %multiple_of3A_783] : memref<128x32768xf32, #tpu.memory_space<hbm>> -> memref<8x128xf32, #tpu.memory_space<hbm>>
    %dma_start3A_794 = arith.constant 0 : i32
    %dma_start3A_795 = arith.constant 0 : i32
    %dma_start3A_796 = tpu.memref_slice %arg7[%dma_start3A_788, %dma_start3A_794, %dma_start3A_795] : memref<3x8x128xf32, #tpu.memory_space<vmem>> -> memref<1x8x128xf32, #tpu.memory_space<vmem>>
    %dma_start3A_797 = tpu.memref_squeeze %dma_start3A_796 : memref<1x8x128xf32, #tpu.memory_space<vmem>> -> memref<8x128xf32, #tpu.memory_space<vmem>>
    %dma_start3A_798 = tpu.memref_slice %arg3[%multiple_of3A_780, %multiple_of3A_783] : memref<128x32768xf32, #tpu.memory_space<hbm>> -> memref<8x128xf32, #tpu.memory_space<hbm>>
    tpu.enqueue_dma source(%dma_start3A_798 : memref<8x128xf32, #tpu.memory_space<hbm>>) target(%dma_start3A_797 : memref<8x128xf32, #tpu.memory_space<vmem>>) target_semaphore(%arg11 : memref<!tpu.dma_semaphore, #tpu.memory_space<semaphore_mem>>)
    %dma_wait3A_799 = arith.constant 0 : i32
    %dma_wait3A_800 = arith.constant 0 : i32
    %dma_wait3A_801 = arith.constant 0 : i32
    %dma_wait3A_802 = tpu.memref_slice %arg7[%dma_wait3A_799, %dma_wait3A_800, %dma_wait3A_801] : memref<3x8x128xf32, #tpu.memory_space<vmem>> -> memref<1x8x128xf32, #tpu.memory_space<vmem>>
    %dma_wait3A_803 = tpu.memref_squeeze %dma_wait3A_802 : memref<1x8x128xf32, #tpu.memory_space<vmem>> -> memref<8x128xf32, #tpu.memory_space<vmem>>
    %dma_wait3A_804 = tpu.memref_slice %arg3[%multiple_of3A, %multiple_of3A_251] : memref<128x32768xf32, #tpu.memory_space<hbm>> -> memref<8x128xf32, #tpu.memory_space<hbm>>
    %dma_wait3A_805 = arith.constant 0 : i32
    %dma_wait3A_806 = arith.constant 0 : i32
    %dma_wait3A_807 = tpu.memref_slice %arg7[%dma_wait3A_799, %dma_wait3A_805, %dma_wait3A_806] : memref<3x8x128xf32, #tpu.memory_space<vmem>> -> memref<1x8x128xf32, #tpu.memory_space<vmem>>
    %dma_wait3A_808 = tpu.memref_squeeze %dma_wait3A_807 : memref<1x8x128xf32, #tpu.memory_space<vmem>> -> memref<8x128xf32, #tpu.memory_space<vmem>>
    %dma_wait3A_809 = tpu.memref_slice %arg3[%multiple_of3A, %multiple_of3A_251] : memref<128x32768xf32, #tpu.memory_space<hbm>> -> memref<8x128xf32, #tpu.memory_space<hbm>>
    tpu.wait_dma2 semaphore(%arg11 : memref<!tpu.dma_semaphore, #tpu.memory_space<semaphore_mem>>) src(%dma_wait3A_809 : memref<8x128xf32, #tpu.memory_space<hbm>>) dst(%dma_wait3A_808 : memref<8x128xf32, #tpu.memory_space<vmem>>)
    %dma_wait3A_810 = arith.constant 1 : i32
    %dma_wait3A_811 = arith.constant 0 : i32
    %dma_wait3A_812 = arith.constant 0 : i32
    %dma_wait3A_813 = tpu.memref_slice %arg7[%dma_wait3A_810, %dma_wait3A_811, %dma_wait3A_812] : memref<3x8x128xf32, #tpu.memory_space<vmem>> -> memref<1x8x128xf32, #tpu.memory_space<vmem>>
    %dma_wait3A_814 = tpu.memref_squeeze %dma_wait3A_813 : memref<1x8x128xf32, #tpu.memory_space<vmem>> -> memref<8x128xf32, #tpu.memory_space<vmem>>
    %dma_wait3A_815 = tpu.memref_slice %arg3[%multiple_of3A_519, %multiple_of3A_522] : memref<128x32768xf32, #tpu.memory_space<hbm>> -> memref<8x128xf32, #tpu.memory_space<hbm>>
    %dma_wait3A_816 = arith.constant 0 : i32
    %dma_wait3A_817 = arith.constant 0 : i32
    %dma_wait3A_818 = tpu.memref_slice %arg7[%dma_wait3A_810, %dma_wait3A_816, %dma_wait3A_817] : memref<3x8x128xf32, #tpu.memory_space<vmem>> -> memref<1x8x128xf32, #tpu.memory_space<vmem>>
    %dma_wait3A_819 = tpu.memref_squeeze %dma_wait3A_818 : memref<1x8x128xf32, #tpu.memory_space<vmem>> -> memref<8x128xf32, #tpu.memory_space<vmem>>
    %dma_wait3A_820 = tpu.memref_slice %arg3[%multiple_of3A_519, %multiple_of3A_522] : memref<128x32768xf32, #tpu.memory_space<hbm>> -> memref<8x128xf32, #tpu.memory_space<hbm>>
    tpu.wait_dma2 semaphore(%arg11 : memref<!tpu.dma_semaphore, #tpu.memory_space<semaphore_mem>>) src(%dma_wait3A_820 : memref<8x128xf32, #tpu.memory_space<hbm>>) dst(%dma_wait3A_819 : memref<8x128xf32, #tpu.memory_space<vmem>>)
    %dma_wait3A_821 = arith.constant 2 : i32
    %dma_wait3A_822 = arith.constant 0 : i32
    %dma_wait3A_823 = arith.constant 0 : i32
    %dma_wait3A_824 = tpu.memref_slice %arg7[%dma_wait3A_821, %dma_wait3A_822, %dma_wait3A_823] : memref<3x8x128xf32, #tpu.memory_space<vmem>> -> memref<1x8x128xf32, #tpu.memory_space<vmem>>
    %dma_wait3A_825 = tpu.memref_squeeze %dma_wait3A_824 : memref<1x8x128xf32, #tpu.memory_space<vmem>> -> memref<8x128xf32, #tpu.memory_space<vmem>>
    %dma_wait3A_826 = tpu.memref_slice %arg3[%multiple_of3A_780, %multiple_of3A_783] : memref<128x32768xf32, #tpu.memory_space<hbm>> -> memref<8x128xf32, #tpu.memory_space<hbm>>
    %dma_wait3A_827 = arith.constant 0 : i32
    %dma_wait3A_828 = arith.constant 0 : i32
    %dma_wait3A_829 = tpu.memref_slice %arg7[%dma_wait3A_821, %dma_wait3A_827, %dma_wait3A_828] : memref<3x8x128xf32, #tpu.memory_space<vmem>> -> memref<1x8x128xf32, #tpu.memory_space<vmem>>
    %dma_wait3A_830 = tpu.memref_squeeze %dma_wait3A_829 : memref<1x8x128xf32, #tpu.memory_space<vmem>> -> memref<8x128xf32, #tpu.memory_space<vmem>>
    %dma_wait3A_831 = tpu.memref_slice %arg3[%multiple_of3A_780, %multiple_of3A_783] : memref<128x32768xf32, #tpu.memory_space<hbm>> -> memref<8x128xf32, #tpu.memory_space<hbm>>
    tpu.wait_dma2 semaphore(%arg11 : memref<!tpu.dma_semaphore, #tpu.memory_space<semaphore_mem>>) src(%dma_wait3A_831 : memref<8x128xf32, #tpu.memory_space<hbm>>) dst(%dma_wait3A_830 : memref<8x128xf32, #tpu.memory_space<vmem>>)
    %broadcast_in_dim3A_832 = arith.constant 0.000000e+00 : f32
    %broadcast_in_dim3A_833 = vector.broadcast %broadcast_in_dim3A_832 : f32 to vector<16xf32>
    %and3A_834 = arith.constant -16 : i32
    %and3A_835 = arith.andi %and3A_255, %and3A_834 : i32
    %get3A = arith.constant 0 : i32
    %get3A_836 = arith.index_cast %get3A : i32 to index
    %get3A_837 = arith.index_cast %and3A_253 : i32 to index
    %get3A_838 = arith.index_cast %and3A_835 : i32 to index
    %get3A_839 = tpu.vector_load %arg7[%get3A_836, %get3A_837, %get3A_838] {strides = array<i32>} : memref<3x8x128xf32, #tpu.memory_space<vmem>>, vector<1x1x16xf32>,
    %get3A_840 = vector.shape_cast %get3A_839 : vector<1x1x16xf32> to vector<16xf32>
    %and3A_841 = arith.constant 15 : i32
    %and3A_842 = arith.andi %and3A_255, %and3A_841 : i32
    %broadcast_in_dim3A_843 = vector.broadcast %and3A_842 : i32 to vector<16xi32>
    %lt3A_844 = arith.constant 0 : i32
    %lt3A_845 = vector.broadcast %lt3A_844 : i32 to vector<16xi32>
    %lt3A_846 = arith.cmpi slt, %broadcast_in_dim3A_843, %lt3A_845 : vector<16xi32>
    %add3A_847 = arith.constant 16 : i32
    %add3A_848 = vector.broadcast %add3A_847 : i32 to vector<16xi32>
    %add3A_849 = arith.addi %broadcast_in_dim3A_843, %add3A_848 : vector<16xi32>
    %select_n3A_850 = arith.select %lt3A_846, %add3A_849, %broadcast_in_dim3A_843 : vector<16xi1>, vector<16xi32>
    %broadcast_in_dim3A_851 = vector.shape_cast %select_n3A_850 : vector<16xi32> to vector<16x1xi32>
    %gather3A_852 = vector.shape_cast %broadcast_in_dim3A_851 : vector<16x1xi32> to vector<16xi32>
    %gather3A_853 = tpu.dynamic_gather %get3A_840[%gather3A_852] in [0] : vector<16xf32>, vector<16xi32> -> vector<16xf32>
    %eq3A_854 = arith.constant 0 : i32
    %eq3A_855 = vector.broadcast %eq3A_854 : i32 to vector<16xi32>
    %eq3A_856 = arith.cmpi eq, %iota3A, %eq3A_855 : vector<16xi32>
    %select_n3A_857 = arith.select %eq3A_856, %gather3A_853, %broadcast_in_dim3A_833 : vector<16xi1>, vector<16xf32>
    %and3A_858 = arith.constant -16 : i32
    %and3A_859 = arith.andi %and3A_526, %and3A_858 : i32
    %get3A_860 = arith.constant 1 : i32
    %get3A_861 = arith.index_cast %get3A_860 : i32 to index
    %get3A_862 = arith.index_cast %and3A_524 : i32 to index
    %get3A_863 = arith.index_cast %and3A_859 : i32 to index
    %get3A_864 = tpu.vector_load %arg7[%get3A_861, %get3A_862, %get3A_863] {strides = array<i32>} : memref<3x8x128xf32, #tpu.memory_space<vmem>>, vector<1x1x16xf32>,
    %get3A_865 = vector.shape_cast %get3A_864 : vector<1x1x16xf32> to vector<16xf32>
    %and3A_866 = arith.constant 15 : i32
    %and3A_867 = arith.andi %and3A_526, %and3A_866 : i32
    %broadcast_in_dim3A_868 = vector.broadcast %and3A_867 : i32 to vector<16xi32>
    %lt3A_869 = arith.constant 0 : i32
    %lt3A_870 = vector.broadcast %lt3A_869 : i32 to vector<16xi32>
    %lt3A_871 = arith.cmpi slt, %broadcast_in_dim3A_868, %lt3A_870 : vector<16xi32>
    %add3A_872 = arith.constant 16 : i32
    %add3A_873 = vector.broadcast %add3A_872 : i32 to vector<16xi32>
    %add3A_874 = arith.addi %broadcast_in_dim3A_868, %add3A_873 : vector<16xi32>
    %select_n3A_875 = arith.select %lt3A_871, %add3A_874, %broadcast_in_dim3A_868 : vector<16xi1>, vector<16xi32>
    %broadcast_in_dim3A_876 = vector.shape_cast %select_n3A_875 : vector<16xi32> to vector<16x1xi32>
    %gather3A_877 = vector.shape_cast %broadcast_in_dim3A_876 : vector<16x1xi32> to vector<16xi32>
    %gather3A_878 = tpu.dynamic_gather %get3A_865[%gather3A_877] in [0] : vector<16xf32>, vector<16xi32> -> vector<16xf32>
    %eq3A_879 = arith.constant 1 : i32
    %eq3A_880 = vector.broadcast %eq3A_879 : i32 to vector<16xi32>
    %eq3A_881 = arith.cmpi eq, %iota3A, %eq3A_880 : vector<16xi32>
    %select_n3A_882 = arith.select %eq3A_881, %gather3A_878, %select_n3A_857 : vector<16xi1>, vector<16xf32>
    %and3A_883 = arith.constant -16 : i32
    %and3A_884 = arith.andi %and3A_787, %and3A_883 : i32
    %get3A_885 = arith.constant 2 : i32
    %get3A_886 = arith.index_cast %get3A_885 : i32 to index
    %get3A_887 = arith.index_cast %and3A_785 : i32 to index
    %get3A_888 = arith.index_cast %and3A_884 : i32 to index
    %get3A_889 = tpu.vector_load %arg7[%get3A_886, %get3A_887, %get3A_888] {strides = array<i32>} : memref<3x8x128xf32, #tpu.memory_space<vmem>>, vector<1x1x16xf32>,
    %get3A_890 = vector.shape_cast %get3A_889 : vector<1x1x16xf32> to vector<16xf32>
    %and3A_891 = arith.constant 15 : i32
    %and3A_892 = arith.andi %and3A_787, %and3A_891 : i32
    %broadcast_in_dim3A_893 = vector.broadcast %and3A_892 : i32 to vector<16xi32>
    %lt3A_894 = arith.constant 0 : i32
    %lt3A_895 = vector.broadcast %lt3A_894 : i32 to vector<16xi32>
    %lt3A_896 = arith.cmpi slt, %broadcast_in_dim3A_893, %lt3A_895 : vector<16xi32>
    %add3A_897 = arith.constant 16 : i32
    %add3A_898 = vector.broadcast %add3A_897 : i32 to vector<16xi32>
    %add3A_899 = arith.addi %broadcast_in_dim3A_893, %add3A_898 : vector<16xi32>
    %select_n3A_900 = arith.select %lt3A_896, %add3A_899, %broadcast_in_dim3A_893 : vector<16xi1>, vector<16xi32>
    %broadcast_in_dim3A_901 = vector.shape_cast %select_n3A_900 : vector<16xi32> to vector<16x1xi32>
    %gather3A_902 = vector.shape_cast %broadcast_in_dim3A_901 : vector<16x1xi32> to vector<16xi32>
    %gather3A_903 = tpu.dynamic_gather %get3A_890[%gather3A_902] in [0] : vector<16xf32>, vector<16xi32> -> vector<16xf32>
    %eq3A_904 = arith.constant 2 : i32
    %eq3A_905 = vector.broadcast %eq3A_904 : i32 to vector<16xi32>
    %eq3A_906 = arith.cmpi eq, %iota3A, %eq3A_905 : vector<16xi32>
    %select_n3A_907 = arith.select %eq3A_906, %gather3A_903, %select_n3A_882 : vector<16xi1>, vector<16xf32>
    %swap3A = arith.constant 0 : index
    %swap3A_908 = tpu.vector_load %arg8[%swap3A] {strides = array<i32>} : memref<16xf32, #tpu.memory_space<vmem>>, vector<16xf32>,
    %swap3A_909 = vector.shape_cast %swap3A_908 : vector<16xf32> to vector<16xf32>
    %swap3A_910 = vector.shape_cast %select_n3A_907 : vector<16xf32> to vector<16xf32>
    tpu.vector_store %arg8[%swap3A], %swap3A_910 {strides = array<i32>} : memref<16xf32, #tpu.memory_space<vmem>>, vector<16xf32>,
    "tpu.region"() ({
      %run_scoped3A = tpu.sem_alloc : memref<!tpu.dma_semaphore, #tpu.memory_space<semaphore_mem>>
      %dma_start3A_911 = arith.constant 0 : i32
      %dma_start3A_912 = tpu.memref_slice %arg4[%add3A, %dma_start3A_911] : memref<32x16xf32, #tpu.memory_space<hbm>> -> memref<1x16xf32, #tpu.memory_space<hbm>>
      %dma_start3A_913 = tpu.memref_squeeze %dma_start3A_912 : memref<1x16xf32, #tpu.memory_space<hbm>> -> memref<16xf32, #tpu.memory_space<hbm>>
      %dma_start3A_914 = arith.constant 0 : i32
      %dma_start3A_915 = tpu.memref_slice %arg4[%add3A, %dma_start3A_914] : memref<32x16xf32, #tpu.memory_space<hbm>> -> memref<1x16xf32, #tpu.memory_space<hbm>>
      %dma_start3A_916 = tpu.memref_squeeze %dma_start3A_915 : memref<1x16xf32, #tpu.memory_space<hbm>> -> memref<16xf32, #tpu.memory_space<hbm>>
      tpu.enqueue_dma source(%arg8 : memref<16xf32, #tpu.memory_space<vmem>>) target(%dma_start3A_916 : memref<16xf32, #tpu.memory_space<hbm>>) target_semaphore(%run_scoped3A : memref<!tpu.dma_semaphore, #tpu.memory_space<semaphore_mem>>)
      %dma_wait3A_917 = arith.constant 0 : i32
      %dma_wait3A_918 = tpu.memref_slice %arg4[%add3A, %dma_wait3A_917] : memref<32x16xf32, #tpu.memory_space<hbm>> -> memref<1x16xf32, #tpu.memory_space<hbm>>
      %dma_wait3A_919 = tpu.memref_squeeze %dma_wait3A_918 : memref<1x16xf32, #tpu.memory_space<hbm>> -> memref<16xf32, #tpu.memory_space<hbm>>
      %dma_wait3A_920 = arith.constant 0 : i32
      %dma_wait3A_921 = tpu.memref_slice %arg4[%add3A, %dma_wait3A_920] : memref<32x16xf32, #tpu.memory_space<hbm>> -> memref<1x16xf32, #tpu.memory_space<hbm>>
      %dma_wait3A_922 = tpu.memref_squeeze %dma_wait3A_921 : memref<1x16xf32, #tpu.memory_space<hbm>> -> memref<16xf32, #tpu.memory_space<hbm>>
      tpu.wait_dma2 semaphore(%run_scoped3A : memref<!tpu.dma_semaphore, #tpu.memory_space<semaphore_mem>>) src(%arg8 : memref<16xf32, #tpu.memory_space<vmem>>) dst(%dma_wait3A_922 : memref<16xf32, #tpu.memory_space<hbm>>)
      tpu.yield
    }) : () -> ()
    return
  }
}

module attributes {stable_mosaic.version = 14 : i64} {
  func.func @_tc_body(%arg0: i32, %arg1: memref<8x32768xf32, #tpu.memory_space<vmem>>, %arg2: memref<8x32768xf32, #tpu.memory_space<vmem>>, %arg3: memref<1x8x1xf32, #tpu.memory_space<vmem>>) attributes {dimension_semantics = [#tpu.dimension_semantics<arbitrary>], iteration_bounds = array<i64: 4>, scalar_prefetch = 0 : i64, scratch_operands = 0 : i64, tpu.core_type = #tpu.core_type<tc>, window_params = [{transform_indices = @transform_0, window_bounds = array<i64: 8, 32768>}, {transform_indices = @transform_1, window_bounds = array<i64: 8, 32768>}, {transform_indices = @transform_2, window_bounds = array<i64: 1, 8, 1>}]} {
    %get3A = arith.constant 0 : index
    %get3A_0 = arith.constant 0 : index
    %get3A_1 = vector.load %arg1[%get3A, %get3A_0] : memref<8x32768xf32, #tpu.memory_space<vmem>>, vector<8x32768xf32>
    %get3A_2 = arith.constant 0 : index
    %get3A_3 = arith.constant 0 : index
    %get3A_4 = vector.load %arg2[%get3A_2, %get3A_3] : memref<8x32768xf32, #tpu.memory_space<vmem>>, vector<8x32768xf32>
    %iota3A = tpu.iota {dimensions = array<i32: 1>} : vector<8x32768xi32>
    %reduce_max3A = arith.constant dense<0xFF800000> : vector<8xf32>
    %reduce_max3A_5 = vector.multi_reduction <maximumf>, %get3A_1, %reduce_max3A [1] : vector<8x32768xf32> to vector<8xf32>
    %broadcast_in_dim3A = vector.shape_cast %reduce_max3A_5 : vector<8xf32> to vector<8x1xf32>
    %eq3A = vector.broadcast %broadcast_in_dim3A : vector<8x1xf32> to vector<8x32768xf32>
    %eq3A_6 = arith.cmpf oeq, %get3A_1, %eq3A : vector<8x32768xf32>
    %broadcast_in_dim3A_7 = arith.constant 1073741824 : i32
    %broadcast_in_dim3A_8 = vector.broadcast %broadcast_in_dim3A_7 : i32 to vector<8x32768xi32>
    %select_n3A = arith.select %eq3A_6, %iota3A, %broadcast_in_dim3A_8 : vector<8x32768xi1>, vector<8x32768xi32>
    %reduce_min3A = arith.constant dense<2147483647> : vector<8xi32>
    %reduce_min3A_9 = vector.multi_reduction <minsi>, %select_n3A, %reduce_min3A [1] : vector<8x32768xi32> to vector<8xi32>
    %broadcast_in_dim3A_10 = vector.shape_cast %reduce_min3A_9 : vector<8xi32> to vector<8x1xi32>
    %eq3A_11 = vector.broadcast %broadcast_in_dim3A_10 : vector<8x1xi32> to vector<8x32768xi32>
    %eq3A_12 = arith.cmpi eq, %iota3A, %eq3A_11 : vector<8x32768xi32>
    %jit3A = arith.constant 0.000000e+00 : f32
    %broadcast_in_dim3A_13 = vector.broadcast %jit3A : f32 to vector<8x32768xf32>
    %select_n3A_14 = arith.select %eq3A_12, %get3A_4, %broadcast_in_dim3A_13 : vector<8x32768xi1>, vector<8x32768xf32>
    %reduce_sum3A = arith.constant dense<0.000000e+00> : vector<8xf32>
    %reduce_sum3A_15 = vector.multi_reduction <add>, %select_n3A_14, %reduce_sum3A [1] : vector<8x32768xf32> to vector<8xf32>
    %reshape3A = vector.shape_cast %reduce_sum3A_15 : vector<8xf32> to vector<1x8x1xf32>
    %swap3A = arith.constant 0 : index
    %swap3A_16 = arith.constant 0 : index
    %swap3A_17 = arith.constant 0 : index
    %swap3A_18 = vector.load %arg3[%swap3A, %swap3A_16, %swap3A_17] : memref<1x8x1xf32, #tpu.memory_space<vmem>>, vector<1x8x1xf32>
    tpu.vector_store %arg3[%swap3A, %swap3A_16, %swap3A_17], %reshape3A {strides = array<i32>} : memref<1x8x1xf32, #tpu.memory_space<vmem>>, vector<1x8x1xf32>,
    return
  }
  func.func @transform_0(%arg0: i32) -> (i32, i32) {
    %c0_i32 = arith.constant 0 : i32
    %c0_i32_0 = arith.constant 0 : i32
    return %arg0, %c0_i32 : i32, i32
  }
  func.func @transform_1(%arg0: i32) -> (i32, i32) {
    %c0_i32 = arith.constant 0 : i32
    %c0_i32_0 = arith.constant 0 : i32
    return %arg0, %c0_i32 : i32, i32
  }
  func.func @transform_2(%arg0: i32) -> (i32, i32, i32) {
    %c0_i32 = arith.constant 0 : i32
    %c0_i32_0 = arith.constant 0 : i32
    %c0_i32_1 = arith.constant 0 : i32
    return %arg0, %c0_i32, %c0_i32_0 : i32, i32, i32
  }
}

</mosaic_0001>

<sc_bundles>
// kernel: kernel.4.cloned.1.call-start
scs
__scs_entry_jumppad:
0x0: {  	(pc) =	sbr.rel $0x88, $3  }
0x1: {  	(tag) =	ssettag $0x0;
	lr =	simm.s32 $0x1  }
0x2: {  	[smem:$0x3F9F] =	sst lr;
	_ =	strace $0xD0000000  }
0x3: {  	_ = 	snop  }
0x4: {  	_ = 	snop  }
0x5: {  	_ = 	snop  }
0x6: {  	_ = 	snop  }
0x7: {  	_ = 	snop  }
__scs_overlays_trampoline_lowered:
0x8: {  	[smem:$0x3FAE] =	sst s0  }
0x9: {  	[smem:$0x3FAF] =	sst s1  }
0xa: {  	[smem:$0x3FB0] =	sst s2  }
0xb: {  	[smem:$0x3FB1] =	sst s3  }
0xc: {  	[smem:$0x3FB2] =	sst s4  }
0xd: {  	[smem:$0x3FB3] =	sst s5  }
0xe: {  	[smem:$0x3FB4] =	sst s6  }
0xf: {  	[smem:$0x3FB5] =	sst s7  }
0x10: {  	[smem:$0x3FB6] =	sst s8  }
0x11: {  	[smem:$0x3FB7] =	sst s9;
	s0 =	simm.s32 @!p0 $0x0  }
0x12: {  	s1 =	sld [smem:$0x3F9D];
	s0 =	simm.s32 @p0 $0x1  }
0x13: {  	[smem:$0x3FB8] =	sst s0;
	s0 =	simm.s32 @!p1 $0x0  }
0x14: {  	s2 =	sld [smem:$0x3F9C];
	s0 =	simm.s32 @p1 $0x1  }
0x15: {  	[smem:$0x3FB9] =	sst s0;
	s0 =	simm.s32 @!p2 $0x0  }
0x16: {  	s3 =	sld [smem:$0x3FDB];
	s0 =	simm.s32 @p2 $0x1  }
0x17: {  	s4 =	simm.s32 $0x1BF5;
	[smem:$0x3FBB] =	sst s0  }
0x18: {  	s0 =	sld [smem:$0x3F9E];
	_ =	swait.ge [sflag:s4], $0x0  }
0x19: {  	s7 =	sld [smem:$0x3F9F]  }
0x1a: {  	s8 =	sadd.s32 $0xFFFFE003, lr  }
0x1b: {  	s9 =	sadd.s32 $0xFFFFFEF7, lr;
	s5 =	simm.s32 $0xFFFFFFFF;
	p2 =	slt.u32 s8, $0xFFFFF086  }
0x1c: {  	p1 =	slt.u32 s9, $0xF7A;
	s5 =	simm.s32 @!p2 $0x0  }
0x1d: {  	s5 =	simm.s32 @p1 $0x1;
	p0 =	seq.s32 s7, s2  }
0x1e: {  	s7 =	smul.u32 @!p0 $0xF7A, s2;
	p2 =	seq.s32 @!p0 s5, $0x0  }
0x1f: {  	s9 =	smul.u32 $0xF7A, s1;
	s8 =	simm.s32 @!p0 $0x1BF5;
	p2 =	por !p2, p0  }
0x20: {  	[sflag:s8] =	ssyncset.s32 @!p0 $0xFFFFF086;
	s6 =	sadd.s32 @!p0 s3, s7;
	s7 =	simm.s32 @!p0 $0x108  }
0x21: {  	s3 =	sadd.s32 s3, s9;
	s6 =	sadd.s32 @!p0 $0x88, s6;
	s7 =	simm.s32 @p2 $0x1082  }
0x22: {  	[simem:s7], [sflag:s8] =	dma.local @!p0 [hbm:s6], $0xF7A  }
0x23: {  	s9 =	sor.u32 $0xD0000000, s2;
	s6 =	simm.s32 $0x108;
	_ =	swait.ge @!p0 [sflag:s8], $0x0  }
0x24: {  	s3 =	sadd.s32 $0x88, s3;
	s6 =	simm.s32 @!p1 $0x1082;
	[sflag:s4] =	ssyncset.s32 $0xFFFFF086  }
0x25: {  	[simem:s6], [sflag:s4] =	dma.local [hbm:s3], $0xF7A  }
0x26: {  	[smem:$0x3F9F] =	sst s1;
	(tag) =	ssettag s2;
	_ =	strace s9  }
0x27: {  	s1 =	sld [smem:$0x3FAF]  }
0x28: {  	s2 =	sld [smem:$0x3FB0]  }
0x29: {  	s4 =	sld [smem:$0x3FB2]  }
0x2a: {  	p0 =	seq.s32 s5, $0x0;
	s5 =	sld [smem:$0x3FB3]  }
0x2b: {  	s6 =	sld [smem:$0x3FB4]  }
0x2c: {  	s7 =	sld [smem:$0x3FB5]  }
0x2d: {  	s3 =	simm.s32 $0x108;
	s8 =	sld [smem:$0x3FB6]  }
0x2e: {  	s3 =	simm.s32 @!p0 $0x1082;
	s9 =	sld [smem:$0x3FB7]  }
0x2f: {  	lr =	sadd.s32 s0, s3;
	s0 =	sld [smem:$0x3FAE]  }
0x30: {  	s3 =	sld [smem:$0x3FB1]  }
0x31: {  	[smem:$0x3FBA] =	sst s10  }
0x32: {  	s10 =	sld [smem:$0x3FB8];
	_ =	sdelay $0x3  }
0x33: {  	p0 =	seq.s32 s10, $0x1;
	s10 =	sld [smem:$0x3FBA];
	_ =	sdelay $0x3  }
0x34: {  	[smem:$0x3FBA] =	sst s10  }
0x35: {  	s10 =	sld [smem:$0x3FB9];
	_ =	sdelay $0x3  }
0x36: {  	p1 =	seq.s32 s10, $0x1;
	s10 =	sld [smem:$0x3FBA];
	_ =	sdelay $0x3  }
0x37: {  	[smem:$0x3FBA] =	sst s10  }
0x38: {  	s10 =	sld [smem:$0x3FBB]  }
0x39: {  	_ = 	snop;
	(pc) =	sbr.ind lr, $3  }
0x3a: {  	_ = 	snop  }
0x3b: {  	_ = 	snop  }
0x3c: {  	p2 =	seq.s32 s10, $0x1;
	s10 =	sld [smem:$0x3FBA]  }
0x3d: {  	_ =	shalt  }
0x3e: {  	_ =	shalt  }
0x3f: {  	_ =	shalt  }
0x40: {  	_ =	shalt  }
0x41: {  	_ =	shalt  }
0x42: {  	_ =	shalt  }
0x43: {  	_ =	shalt  }
0x44: {  	_ =	shalt  }
0x45: {  	_ =	shalt  }
0x46: {  	_ =	shalt  }
0x47: {  	_ =	shalt  }
0x48: {  	_ =	shalt  }
0x49: {  	_ =	shalt  }
0x4a: {  	_ =	shalt  }
0x4b: {  	_ =	shalt  }
0x4c: {  	_ =	shalt  }
0x4d: {  	_ =	shalt  }
0x4e: {  	_ =	shalt  }
0x4f: {  	_ =	shalt  }
0x50: {  	_ =	shalt  }
0x51: {  	_ =	shalt  }
0x52: {  	_ =	shalt  }
0x53: {  	_ =	shalt  }
0x54: {  	_ =	shalt  }
0x55: {  	_ =	shalt  }
0x56: {  	_ =	shalt  }
0x57: {  	_ =	shalt  }
0x58: {  	_ =	shalt  }
0x59: {  	_ =	shalt  }
0x5a: {  	_ =	shalt  }
0x5b: {  	_ =	shalt  }
0x5c: {  	_ =	shalt  }
0x5d: {  	_ =	shalt  }
0x5e: {  	_ =	shalt  }
0x5f: {  	_ =	shalt  }
0x60: {  	_ =	shalt  }
0x61: {  	_ =	shalt  }
0x62: {  	_ =	shalt  }
0x63: {  	_ =	shalt  }
0x64: {  	_ =	shalt  }
0x65: {  	_ =	shalt  }
0x66: {  	_ =	shalt  }
0x67: {  	_ =	shalt  }
0x68: {  	_ =	shalt  }
0x69: {  	_ =	shalt  }
0x6a: {  	_ =	shalt  }
0x6b: {  	_ =	shalt  }
0x6c: {  	_ =	shalt  }
0x6d: {  	_ =	shalt  }
0x6e: {  	_ =	shalt  }
0x6f: {  	_ =	shalt  }
0x70: {  	_ =	shalt  }
0x71: {  	_ =	shalt  }
0x72: {  	_ =	shalt  }
0x73: {  	_ =	shalt  }
0x74: {  	_ =	shalt  }
0x75: {  	_ =	shalt  }
0x76: {  	_ =	shalt  }
0x77: {  	_ =	shalt  }
0x78: {  	_ =	shalt  }
0x79: {  	_ =	shalt  }
0x7a: {  	_ =	shalt  }
0x7b: {  	_ =	shalt  }
0x7c: {  	_ =	shalt  }
0x7d: {  	_ =	shalt  }
0x7e: {  	_ =	shalt  }
0x7f: {  	_ =	shalt  }
0x80: {  	_ =	shalt  }
0x81: {  	_ =	shalt  }
0x82: {  	_ =	shalt  }
0x83: {  	_ =	shalt  }
0x84: {  	_ =	shalt  }
0x85: {  	_ =	shalt  }
0x86: {  	_ =	shalt  }
0x87: {  	_ =	shalt  }
.Lfunc_end0:
.L_simem_size_0:
called_computation_lowered:
.L_overlay_start_0:
0x88: {  	s2 =	sld [smem:$0x3FD9]  }
0x89: {  	s3 =	sld [smem:$0x3FFE];
	_ =	sdelay $0x1  }
0x8a: {  	s1 =	srdreg.scid  }
0x8b: {  	s0 =	sand.u32 $0x1, s1  }
0x8c: {  	s17 =	sshll.u32 s0, $0xA;
	s2 =	sadd.s32 s3, s2  }
0x8d: {  	s2 =	sadd.s32 s2, s17  }
0x8e: {  	[smem:$0x3FC6] =	sst s2  }
0x8f: {  	_ = 	snop  }
0x90: {  	s2 =	sld [smem:$0x3FC9]  }
0x91: {  	s18 =	sld [smem:$0x3FC8];
	(tm) =	ssettm $0x1  }
0x92: {  	s4 =	sld [smem:$0x3FFB];
	_ =	sdelay $0x3  }
0x93: {  	_ =	strace s4  }
0x94: {  	s4 =	sld [smem:$0x3FFC];
	_ =	sdelay $0x3  }
0x95: {  	_ =	strace s4  }
0x96: {  	s4 =	sld [smem:$0x3FFD];
	_ =	sdelay $0x3  }
0x97: {  	_ =	strace s4  }
0x98: {  	_ =	strace $0x8FFFFFFF  }
0x99: {  	s19 =	sld [smem:$0x3FDB];
	_ =	sdelay $0x1  }
0x9a: {  	s5 =	simm.s32 $_scs_section_size  }
0x9b: {  	s6 =	simm.s32 $_size__tile_overlayer_lowered;
	s7 =	simm.s32 $_tile_overlayer_lowered  }
0x9c: {  	s22 =	simm.s32 $0x1BFF;
	s21 =	sshll.u32 s7, $0x1;
	s4 =	sadd.s32 s5, s19  }
0x9d: {  	s8 =	simm.s32 $0x0;
	s20 =	sshll.u32 s6, $0x1;
	s6 =	sadd.s32 s21, s4  }
0x9e: {  	[timem:s8], [sflag:s22] =	dma.local [hbm:s6], s20  }
0x9f: {  	_ =	swait.ge [sflag:s22], s20  }
0xa0: {  	s5 =	ssub.s32 $0x0, s20;
	[sflag:s22] =	ssyncset.done $0x0  }
0xa1: {  	[sflag:s22] =	ssyncadd.s32 s5;
	_ =	sdelay $0x1  }
0xa2: {  	s23 =	simm.s32 $0x1B8B  }
0xa3: {  	_ =	swait.ge [sflag:s23], $0x1  }
0xa4: {  	[sflag:s23] =	ssyncset.done $0x0  }
0xa5: {  	s25 =	simm.s32 $0x1B8E;
	s24 =	sld [smem:$0x3FFE];
	[sflag:s23] =	ssyncadd.s32 $0xFFFFFFFF  }
0xa6: {  	s26 =	simm.s32 $execute0_lowered;
	[smem:$0x3FD2] =	sst s25  }
0xa7: {  	s6 =	sshll.u32 s26, $0x1;
	_ =	strace $0x80000046;
	[dreg:$0x1] =	wrdreg $0xFFFFFFFF  }
0xa8: {  	s28 =	simm.s32 $_size_execute0_lowered;
	s4 =	sadd.s32 s4, s6;
	[dreg:$0x0] =	wrdreg $0x0  }
0xa9: {  	s6 =	sshll.u32 s28, $0x1;
	[dreg:$0x2] =	wrdreg s4  }
0xaa: {  	[dreg:$0x3] =	wrdreg s6  }
0xab: {  	[dreg:$0x4] =	wrdreg $0xC0  }
0xac: {  	_ =	task [dreg:s8], $0x5FFFF  }
0xad: {  	[dreg:$0x1] =	wrdreg $0xFFFFFFFF  }
0xae: {  	[dreg:$0x0] =	wrdreg $0x60  }
0xaf: {  	[dreg:$0x2] =	wrdreg s18  }
0xb0: {  	[dreg:$0x3] =	wrdreg s2  }
0xb1: {  	[dreg:$0x4] =	wrdreg s24  }
0xb2: {  	[dreg:$0x5] =	wrdreg $0x9  }
0xb3: {  	_ =	task.clear_ibuf [dreg:s8], $0x6FFFF;
	_ =	strace $0x90000046  }
0xb4: {  	s29 =	simm.s32 $0x9;
	_ =	strace $0x80000048  }
0xb5: {  	_ =	swait.ge [sflag:s29], $0x1  }
0xb6: {  	[sflag:s29] =	ssyncadd.s32 $0xFFFFFFFF  }
0xb7: {  	_ =	strace $0x90000048  }
0xb8: {  	_ =	sfence  }
0xb9: {  	s30 =	sld [smem:$0x0];
	_ =	sdelay $0x2  }
0xba: {  	s31 =	sshll.u32 s1, $0xD;
	s1 =	sshrl.u32 s1, $0x2  }
0xbb: {  	s3 =	sand.u32 $0x4000, s31;
	s1 =	sadd.s32 s1, s30  }
0xbc: {  	s0 =	sor.u32 s3, s0;
	s1 =	sshll.u32 s1, $0x11  }
0xbd: {  	s0 =	sor.u32 s1, s0  }
0xbe: {  	s0 =	sadd.s32 $0x8F2B, s0  }
0xbf: {  	[sflag:s0] =	ssyncadd.remote.s32 $0x1  }
0xc0: {  	_ =	sfence.sel $0xFFFF  }
0xc1: {  	[dreg:$0x0] =	wrdreg $0xFFFFFFFF;
	(pc) =	sbr.abs _section_cstart, $3  }
0xc2: {  	[dreg:$0x1] =	wrdreg $0xFFFFFFFF  }
0xc3: {  	_ =	task.clear_ibuf [dreg:s8], $0x2FFFF;
	_ =	strace $0x9FFFFFFF  }
0xc4: {  	(tm) =	ssettm $0x7FFFFFFF  }
0xc5: {  	_ =	shalt  }
tec
execute0_lowered:
.L_overlay_start_1:
0x0: {  	(tag) =	ssettag $0x1  }
0x1: {  	s9 =	rddreg [dreg:$0x0]  }
0x2: {  	s2 =	rddreg [dreg:$0x1];
	s1 =	srdreg.scid  }
0x3: {  	s0 =	stileid.u32;
	s5 =	rddreg [dreg:$0x2]  }
0x4: {  	s3 =	simm.s32 $0x0;
	s16 =	simm.s32 $0x10000;
	s17 =	simm.s32 $0x2  }
0x5: {  	v7 =	vimm.s32 $0x76543210;
	s18 =	simm.s32 $0x10400;
	s19 =	simm.s32 $0x10800;
	s20 =	simm.s32 $0x3  }
0x6: {  	v8 =	vimm.s32 $0xFEDCBA98;
	v9 =	vimm.s32 $0xBA98FEDC;
	s21 =	simm.s32 $0x10C00;
	s4 =	sand.u32 $0x1, s1;
	s6 =	sshll.u32 s0, $0x1  }
0x7: {  	v10 =	vimm.s32 $0x32107654;
	v11 =	vimm.s32 $0xDCFE98BA;
	s22 =	simm.s32 $0x4;
	[smem:$0x7FF] =	sst s3;
	s6 =	sor.u32 s4, s6  }
0x8: {  	v12 =	vimm.s32 $0x54761032;
	s1 =	rddreg [dreg:$0x3];
	_ =	strace $0x80000047;
	s7 =	smul.u32 $0x18000, s6  }
0x9: {  	v0 =	vlaneseq.u32;
	v13 =	vimm.s32 $0xEFCDAB89;
	v14 =	vimm.s32 $0x67452301;
	s11 =	ssub.s32 $0x2, s4;
	s8 =	smul.u32 $0x180, s6;
	s10 =	sshll.u32 s6, $0x4  }
0xa: {  	vm0 =	vcmask $0x30C;
	vm1 =	vcmask $0x70C;
	v1 =	vor.u32 $0x10, v0;
	s6 =	smul.u32 $0x3, s6;
	s24 =	sshrl.u32 s11, $0x1;
	s10 =	sadd.s32 s10, s5  }
0xb: {  	v2 =	vor.u32 $0x20, v0;
	v3 =	vor.u32 $0x30, v0;
	v4 =	vor.u32 $0x40, v0;
	s11 =	ssub.s32 s11, s24;
	s7 =	sadd.s32 $0x100000, s7;
	s12 =	sand.u32 $0x380, s8  }
0xc: {  	v7 =	vunpack.c.l.s4.s8 v7;
	v8 =	vunpack.c.l.s4.s8 v8;
	v9 =	vunpack.c.l.s4.s8 v9;
	s25 =	sadd.s32 $0x21, s6;
	s6 =	sadd.s32 $0x22, s6;
	s10 =	sadd.s32 $0x200, s10  }
0xd: {  	v10 =	vunpack.c.l.s4.s8 v10;
	v11 =	vunpack.c.l.s4.s8 v11;
	v12 =	vunpack.c.l.s4.s8 v12;
	s11 =	smax.u32 s11, $0x1;
	s4 =	sand.u32 $0x7C0000, s7;
	s26 =	sshll.u32 s25, $0xF  }
0xe: {  	v13 =	vunpack.c.l.s4.s8 v13;
	v14 =	vunpack.c.l.s4.s8 v14;
	v9 =	vunpack.c.0.s8.s32 v9;
	s7 =	sshll.u32 s25, $0x7;
	s28 =	sshll.u32 s6, $0xF;
	s14 =	sshll.u32 s6, $0x7  }
0xf: {  	v10 =	vunpack.c.0.s8.s32 v10;
	v11 =	vunpack.c.0.s8.s32 v11;
	v12 =	vunpack.c.0.s8.s32 v12;
	s23 =	sor.u32 $0x10000, s12;
	s8 =	sor.u32 s12, s4;
	s5 =	sand.u32 $0x7C0000, s26  }
0x10: {  	v8 =	vunpack.c.0.s8.s32 v8;
	v13 =	vunpack.c.0.s8.s32 v13;
	v14 =	vunpack.c.0.s8.s32 v14;
	s13 =	sand.u32 $0x380, s7;
	s6 =	sand.u32 $0x7C0000, s28;
	s14 =	sand.u32 $0x380, s14  }
0x11: {  	v9 =	vcombine.low v10, v9;
	v10 =	vcombine.low v12, v11;
	s12 =	simm.s32 $0x80;
	v12 =	vmov s23;
	s23 =	simm.s32 $0x0;
	s15 =	sor.u32 s13, s5  }
0x12: {  	v5 =	vor.u32 $0x50, v0;
	v6 =	vor.u32 $0x60, v0;
	v15 =	vunpack.c.0.s8.s32 v7;
	s29 =	sshrl.u32 s8, $0x3;
	s31 =	sor.u32 s14, s6;
	s24 =	sor.u32 $0x10000, s13  }
0x13: {  	v7 =	vor.u32 $0x70, v0;
	v8 =	vand.u32 $0xF, v8;
	v11 =	vcombine.low v14, v13;
	s25 =	sor.u32 $0x10000, s14;
	s13 =	simm.s32 $0x400;
	s14 =	simm.s32 $0x8000  }
0x14: {  	v8 =	vcombine.low v8, v15;
	v9 =	vand.u32 $0xF, v9;
	v10 =	vand.u32 $0xF, v10;
	s30 =	sshrl.u32 s15, $0x3;
	s7 =	sadd.s32 s9, s29;
	s15 =	sshrl.u32 s31, $0x3  }
0x15: {  	v11 =	vand.u32 $0xF, v11;
	v13 =	vmov s24;
	v14 =	vmov s25;
	s8 =	sadd.s32 s9, s30;
	s9 =	sadd.s32 s9, s15;
	s15 =	simm.s32 $0x1  }
.LBB2_1:
0x16: {  	[tilespmem:s3], [sflag:$0x1] =	stream.strided.gather [hbm4b:s7+s12], $0x8000, s13, s12, $0x38;
	[tilespmem:$0x10C80] =	vst v63  }
0x17: {  	_ = 	snop  }
0x18: {  	[tilespmem:s14], [sflag:$0x2] =	stream.strided.gather [hbm4b:s8+s12], $0x8000, s13, s12, $0x38;
	[tilespmem:$0x10C80] =	vst v63  }
0x19: {  	_ =	swait.ge [sflag:s15], $0x8000  }
0x1a: {  	[sflag:s15] =	ssyncset.done $0x0  }
0x1b: {  	s24 =	simm.s32 $0x40;
	[sflag:s15] =	ssyncadd.s32 $0xFFFF8000  }
0x1c: {  	v15 =	vld [tilespmem:s24+$0xFFFFFFC0]  }
0x1d: {  	v16 =	vld [tilespmem:s24+$0xFFFFFFD0]  }
0x1e: {  	v17 =	vld [tilespmem:s24+$0xFFFFFFE0]  }
0x1f: {  	v18 =	vld [tilespmem:s24+$0xFFFFFFF0]  }
0x20: {  	v19 =	vld [tilespmem:s24+$0x0]  }
0x21: {  	v20 =	vld [tilespmem:s24+$0x10]  }
0x22: {  	v21 =	vld [tilespmem:s24+$0x20];
	_ =	sdelay $0x1  }
0x23: {  	v24 =	vimm.f32 $-Inf;
	s25 =	simm.s32 $0xC0;
	v27 =	vld [tilespmem:s24+$0x30]  }
0x24: {  	v30 =	vimm.s32 $0x0;
	v37 =	vld [tilespmem:s25+$0xFFFFFFC0];
	vm2 =	vgt.f32 v15, v24;
	vm3 =	vgt.f32 v16, v24  }
0x25: {  	v29 =	vld [tilespmem:s25+$0xFFFFFFD0];
	vm4 =	vgt.f32 v17, v24;
	vm5 =	vgt.f32 v18, v24;
	vm6 =	vgt.f32 v19, v24  }
0x26: {  	v36 =	vld [tilespmem:s25+$0xFFFFFFE0];
	vm7 =	vgt.f32 v20, v24;
	vm8 =	vgt.f32 v21, v24;
	v32 =	vsel vm2, v15, v24  }
0x27: {  	v25 =	vld [tilespmem:s25+$0xFFFFFFF0];
	v34 =	vsel vm2, s3, v30;
	v31 =	vsel vm3, v16, v24;
	v28 =	vsel vm4, v17, v24  }
0x28: {  	v23 =	vld [tilespmem:s25+$0x0];
	v26 =	vsel vm5, v18, v24;
	v22 =	vsel vm6, v19, v24;
	vm2 =	vgt.f32 v27, v24  }
0x29: {  	v19 =	vld [tilespmem:s25+$0x10];
	v20 =	vsel vm7, v20, v24;
	v16 =	vsel vm8, v21, v24;
	v38 =	vsel vm3, s3, v30  }
0x2a: {  	s26 =	simm.s32 $0x2;
	v18 =	vld [tilespmem:s25+$0x20];
	v35 =	vsel vm4, s3, v30;
	v33 =	vsel vm5, s3, v30;
	v21 =	vsel vm8, s3, v30  }
0x2b: {  	s28 =	simm.s32 $0x0;
	s24 =	simm.s32 $0x1;
	v17 =	vld [tilespmem:s25+$0x30];
	s25 =	simm.s32 $0x140;
	v15 =	vsel vm2, v27, v24;
	v27 =	vsel vm6, s3, v30;
	v24 =	vsel vm7, s3, v30  }
.LBB2_2:
0x2c: {  	v39 =	vld [tilespmem:s25+$0xFFFFFFC0];
	p0 =	sne.s32 s26, $0xFF;
	vm3 =	vgt.f32 v37, v32;
	vm4 =	vgt.f32 v29, v31;
	v30 =	vsel vm2, s28, v30;
	s28 =	smov.u32 s24;
	s24 =	smov.u32 s26  }
0x2d: {  	v32 =	vsel vm3, v37, v32;
	v34 =	vsel vm3, s28, v34;
	v31 =	vsel vm4, v29, v31;
	v29 =	vld [tilespmem:s25+$0xFFFFFFD0]  }
0x2e: {  	vm5 =	vgt.f32 v25, v26;
	vm3 =	vgt.f32 v36, v28;
	vm6 =	vgt.f32 v23, v22;
	v40 =	vld [tilespmem:s25+$0xFFFFFFE0]  }
.Ltmp0:
0x2f: {  	v26 =	vsel vm5, v25, v26;
	v28 =	vsel vm3, v36, v28;
	v22 =	vsel vm6, v23, v22;
	v25 =	vld [tilespmem:s25+$0xFFFFFFF0];
	(pc) =	sbr.rel @p0 .LBB2_2-.Ltmp0, $4  }
0x30: {  	vm7 =	vgt.f32 v19, v20;
	vm8 =	vgt.f32 v18, v16;
	v23 =	vld [tilespmem:s25+$0x0];
	vm2 =	vgt.f32 v17, v15  }
0x31: {  	v20 =	vsel vm7, v19, v20;
	v16 =	vsel vm8, v18, v16;
	v19 =	vld [tilespmem:s25+$0x10];
	v15 =	vsel vm2, v17, v15;
	v37 =	vmovc v39  }
0x32: {  	v38 =	vsel vm4, s28, v38;
	v33 =	vsel vm5, s28, v33;
	v35 =	vsel vm3, s28, v35;
	v18 =	vld [tilespmem:s25+$0x20]  }
0x33: {  	s26 =	sadd.s32 $0x1, s26;
	v27 =	vsel vm6, s28, v27;
	v24 =	vsel vm7, s28, v24;
	v21 =	vsel vm8, s28, v21;
	v17 =	vld [tilespmem:s25+$0x30];
	s25 =	sadd.s32 $0x80, s25;
	v36 =	vmovc v40  }
0x34: {  	vm3 =	vgt.f32 v37, v32;
	vm4 =	vgt.f32 v29, v31  }
0x35: {  	v30 =	vsel vm2, s28, v30;
	v34 =	vsel vm3, s24, v34;
	v38 =	vsel vm4, s24, v38  }
0x36: {  	v32 =	vsel vm3, v37, v32;
	v34 =	vshll.u32 v34, $0x7;
	v61 =	vshll.u32 v38, $0x7  }
0x37: {  	v29 =	vsel vm4, v29, v31;
	v31 =	vor.u32 v0, v34;
	v62 =	vor.u32 v1, v61  }
0x38: {  	vm2 =	vgt.f32 v36, v28;
	vm3 =	veq.f32 v29, v32;
	vm14 =	vlt.s32 v62, v31  }
0x39: {  	v35 =	vsel vm2, s24, v35;
	vm5 =	vgt.f32 v29, v32;
	vm3 =	vmand vm3, vm14  }
0x3a: {  	v28 =	vsel vm2, v36, v28;
	v35 =	vshll.u32 v35, $0x7;
	vm2 =	vmor vm5, vm3  }
0x3b: {  	v63 =	vor.u32 v2, v35;
	v29 =	vsel vm2, v29, v32;
	v31 =	vsel vm2, v62, v31  }
0x3c: {  	vm2 =	vgt.f32 v25, v26;
	vm3 =	veq.f32 v28, v29;
	vm15 =	vlt.s32 v63, v31  }
0x3d: {  	v33 =	vsel vm2, s24, v33;
	vm8 =	vgt.f32 v28, v29;
	vm3 =	vmand vm3, vm15  }
0x3e: {  	v25 =	vsel vm2, v25, v26;
	v26 =	vshll.u32 v33, $0x7;
	vm2 =	vmor vm8, vm3  }
0x3f: {  	v26 =	vor.u32 v3, v26;
	v28 =	vsel vm2, v28, v29;
	v29 =	vsel vm2, v63, v31  }
0x40: {  	vm2 =	vgt.f32 v23, v22;
	vm3 =	veq.f32 v25, v28;
	vm9 =	vlt.s32 v26, v29  }
0x41: {  	v27 =	vsel vm2, s24, v27;
	vm10 =	vgt.f32 v25, v28;
	vm3 =	vmand vm3, vm9  }
0x42: {  	v22 =	vsel vm2, v23, v22;
	v23 =	vshll.u32 v27, $0x7;
	vm2 =	vmor vm10, vm3  }
0x43: {  	v23 =	vor.u32 v4, v23;
	v25 =	vsel vm2, v25, v28;
	v26 =	vsel vm2, v26, v29  }
0x44: {  	vm2 =	vgt.f32 v19, v20;
	vm3 =	veq.f32 v22, v25;
	vm11 =	vlt.s32 v23, v26  }
0x45: {  	v24 =	vsel vm2, s24, v24;
	vm12 =	vgt.f32 v22, v25;
	vm3 =	vmand vm3, vm11  }
0x46: {  	v19 =	vsel vm2, v19, v20;
	v20 =	vshll.u32 v24, $0x7;
	vm2 =	vmor vm12, vm3  }
0x47: {  	v20 =	vor.u32 v5, v20;
	v22 =	vsel vm2, v22, v25;
	v23 =	vsel vm2, v23, v26  }
0x48: {  	vm2 =	vgt.f32 v18, v16;
	vm3 =	veq.f32 v19, v22;
	vm13 =	vlt.s32 v20, v23  }
0x49: {  	v21 =	vsel vm2, s24, v21;
	vm14 =	vgt.f32 v19, v22;
	vm3 =	vmand vm3, vm13  }
0x4a: {  	v16 =	vsel vm2, v18, v16;
	v18 =	vshll.u32 v21, $0x7;
	vm2 =	vmor vm14, vm3  }
0x4b: {  	v18 =	vor.u32 v6, v18;
	v19 =	vsel vm2, v19, v22;
	v20 =	vsel vm2, v20, v23  }
0x4c: {  	vm2 =	vgt.f32 v17, v15;
	vm3 =	veq.f32 v16, v19;
	vm15 =	vlt.s32 v18, v20  }
0x4d: {  	v21 =	vsel vm2, s24, v30;
	vm8 =	vgt.f32 v16, v19;
	vm3 =	vmand vm3, vm15  }
0x4e: {  	v15 =	vsel vm2, v17, v15;
	v17 =	vshll.u32 v21, $0x7;
	vm2 =	vmor vm8, vm3  }
0x4f: {  	v17 =	vor.u32 v7, v17;
	v16 =	vsel vm2, v16, v19;
	v18 =	vsel vm2, v18, v20  }
0x50: {  	vm2 =	veq.f32 v15, v16;
	vm3 =	vlt.s32 v17, v18  }
0x51: {  	vm9 =	vgt.f32 v15, v16;
	vm2 =	vmand vm2, vm3  }
0x52: {  	vm2 =	vmor vm9, vm2  }
0x53: {  	v15 =	vsel vm2, v15, v16;
	v16 =	vsel vm2, v17, v18  }
0x54: {  	v17 =	vperm.xlane v15, v8;
	v18 =	vperm.xlane v16, v8;
	_ =	sdelay $0x1  }
0x55: {  	vm2 =	veq.f32 v17, v15;
	vm3 =	vlt.s32 v18, v16  }
0x56: {  	vm10 =	vgt.f32 v17, v15;
	vm2 =	vmand vm2, vm3  }
0x57: {  	vm2 =	vmor vm10, vm2  }
0x58: {  	v15 =	vsel vm2, v17, v15;
	v16 =	vsel vm2, v18, v16  }
0x59: {  	v17 =	vperm.xlane v15, v9;
	v18 =	vperm.xlane v16, v9;
	_ =	sdelay $0x1  }
0x5a: {  	vm2 =	veq.f32 v17, v15;
	vm3 =	vlt.s32 v18, v16  }
0x5b: {  	vm11 =	vgt.f32 v17, v15;
	vm2 =	vmand vm2, vm3  }
0x5c: {  	vm2 =	vmor vm11, vm2  }
0x5d: {  	v15 =	vsel vm2, v17, v15;
	v16 =	vsel vm2, v18, v16  }
0x5e: {  	v17 =	vperm.xlane v15, v10;
	v18 =	vperm.xlane v16, v10;
	_ =	sdelay $0x1  }
0x5f: {  	vm2 =	veq.f32 v17, v15;
	vm3 =	vlt.s32 v18, v16  }
0x60: {  	vm12 =	vgt.f32 v17, v15;
	vm2 =	vmand vm2, vm3  }
0x61: {  	vm2 =	vmor vm12, vm2  }
0x62: {  	v15 =	vsel vm2, v17, v15;
	v16 =	vsel vm2, v18, v16  }
0x63: {  	v17 =	vperm.xlane v15, v11;
	v18 =	vperm.xlane v16, v11;
	_ =	sdelay $0x1  }
0x64: {  	vm2 =	veq.f32 v17, v15;
	vm3 =	vlt.s32 v18, v16  }
0x65: {  	vm13 =	vgt.f32 v17, v15;
	vm2 =	vmand vm2, vm3  }
0x66: {  	vm2 =	vmor vm13, vm2  }
0x67: {  	v15 =	vsel vm2, v18, v16  }
0x68: {  	(v2sf) =	vpush v15, $0x0;
	_ =	sdelay $0xe  }
0x69: {  	s24 =	spop (v2sf)  }
0x6a: {  	s25 =	sshll.u32 s24, $0x3  }
0x6b: {  	s25 =	sand.u32 $0x7FFFFC00, s25  }
0x6c: {  	s25 =	sadd.s32 s4, s25  }
0x6d: {  	s25 =	sshrl.u32 s25, $0x3  }
0x6e: {  	s26 =	simm.s32 $0x0;
	s25 =	sadd.s32 s2, s25  }
0x6f: {  	[tilespmem:s16], [sflag:$0x3] =	stream.linear.gather [hbm4b:s25+s26], $0x400, $0x38;
	[tilespmem:$0x10C80] =	vst v63  }
0x70: {  	_ = 	snop  }
0x71: {  	[tilespmem:s26], [sflag:$0x1] =	stream.strided.gather [hbm4b:s9+s12], $0x8000, s13, s12, $0x38;
	[tilespmem:$0x10C80] =	vst v63  }
0x72: {  	_ =	swait.ge [sflag:s17], $0x8000  }
0x73: {  	[sflag:s17] =	ssyncset.done $0x0  }
0x74: {  	s31 =	simm.s32 $0x8040;
	[sflag:s17] =	ssyncadd.s32 $0xFFFF8000  }
0x75: {  	v15 =	vld [tilespmem:s31+$0xFFFFFFC0]  }
0x76: {  	v16 =	vld [tilespmem:s31+$0xFFFFFFD0]  }
0x77: {  	v17 =	vld [tilespmem:s31+$0xFFFFFFE0]  }
0x78: {  	v18 =	vld [tilespmem:s31+$0xFFFFFFF0]  }
0x79: {  	v19 =	vld [tilespmem:s31+$0x0]  }
0x7a: {  	v20 =	vld [tilespmem:s31+$0x10]  }
0x7b: {  	v21 =	vld [tilespmem:s31+$0x20];
	_ =	sdelay $0x1  }
0x7c: {  	s28 =	simm.s32 $0x80C0;
	v24 =	vimm.f32 $-Inf;
	v27 =	vld [tilespmem:s31+$0x30]  }
0x7d: {  	v30 =	vimm.s32 $0x0;
	v37 =	vld [tilespmem:s28+$0xFFFFFFC0];
	vm2 =	vgt.f32 v15, v24;
	vm3 =	vgt.f32 v16, v24  }
0x7e: {  	v29 =	vld [tilespmem:s28+$0xFFFFFFD0];
	vm14 =	vgt.f32 v17, v24;
	vm15 =	vgt.f32 v18, v24;
	vm6 =	vgt.f32 v19, v24  }
0x7f: {  	v36 =	vld [tilespmem:s28+$0xFFFFFFE0];
	vm7 =	vgt.f32 v20, v24;
	vm8 =	vgt.f32 v21, v24;
	v32 =	vsel vm2, v15, v24  }
0x80: {  	v25 =	vld [tilespmem:s28+$0xFFFFFFF0];
	v34 =	vsel vm2, s26, v30;
	v31 =	vsel vm3, v16, v24;
	v28 =	vsel vm14, v17, v24  }
0x81: {  	v23 =	vld [tilespmem:s28+$0x0];
	v26 =	vsel vm15, v18, v24;
	v22 =	vsel vm6, v19, v24;
	vm2 =	vgt.f32 v27, v24  }
0x82: {  	v19 =	vld [tilespmem:s28+$0x10];
	v20 =	vsel vm7, v20, v24;
	v16 =	vsel vm8, v21, v24;
	v38 =	vsel vm3, s26, v30  }
0x83: {  	v18 =	vld [tilespmem:s28+$0x20];
	v35 =	vsel vm14, s26, v30;
	v33 =	vsel vm15, s26, v30;
	v21 =	vsel vm8, s26, v30  }
0x84: {  	s29 =	simm.s32 $0x2;
	s25 =	simm.s32 $0x1;
	v17 =	vld [tilespmem:s28+$0x30];
	s28 =	simm.s32 $0x8140;
	v15 =	vsel vm2, v27, v24;
	v27 =	vsel vm6, s26, v30;
	v24 =	vsel vm7, s26, v30  }
.LBB2_4:
0x85: {  	v39 =	vld [tilespmem:s28+$0xFFFFFFC0];
	p0 =	sne.s32 s29, $0xFF;
	vm3 =	vgt.f32 v37, v32;
	vm4 =	vgt.f32 v29, v31;
	v30 =	vsel vm2, s26, v30;
	s26 =	smov.u32 s25;
	s25 =	smov.u32 s29  }
0x86: {  	v32 =	vsel vm3, v37, v32;
	v34 =	vsel vm3, s26, v34;
	v31 =	vsel vm4, v29, v31;
	v29 =	vld [tilespmem:s28+$0xFFFFFFD0]  }
0x87: {  	vm5 =	vgt.f32 v25, v26;
	vm3 =	vgt.f32 v36, v28;
	vm6 =	vgt.f32 v23, v22;
	v40 =	vld [tilespmem:s28+$0xFFFFFFE0]  }
.Ltmp1:
0x88: {  	v26 =	vsel vm5, v25, v26;
	v28 =	vsel vm3, v36, v28;
	v22 =	vsel vm6, v23, v22;
	v25 =	vld [tilespmem:s28+$0xFFFFFFF0];
	(pc) =	sbr.rel @p0 .LBB2_4-.Ltmp1, $4  }
0x89: {  	vm7 =	vgt.f32 v19, v20;
	vm8 =	vgt.f32 v18, v16;
	v23 =	vld [tilespmem:s28+$0x0];
	vm2 =	vgt.f32 v17, v15  }
0x8a: {  	v20 =	vsel vm7, v19, v20;
	v16 =	vsel vm8, v18, v16;
	v19 =	vld [tilespmem:s28+$0x10];
	v15 =	vsel vm2, v17, v15;
	v37 =	vmovc v39  }
0x8b: {  	v38 =	vsel vm4, s26, v38;
	v33 =	vsel vm5, s26, v33;
	v35 =	vsel vm3, s26, v35;
	v18 =	vld [tilespmem:s28+$0x20]  }
0x8c: {  	s29 =	sadd.s32 $0x1, s29;
	v27 =	vsel vm6, s26, v27;
	v24 =	vsel vm7, s26, v24;
	v21 =	vsel vm8, s26, v21;
	v17 =	vld [tilespmem:s28+$0x30];
	s28 =	sadd.s32 $0x80, s28;
	v36 =	vmovc v40  }
0x8d: {  	vm3 =	vgt.f32 v37, v32;
	vm4 =	vgt.f32 v29, v31  }
0x8e: {  	v30 =	vsel vm2, s26, v30;
	v34 =	vsel vm3, s25, v34;
	v38 =	vsel vm4, s25, v38  }
0x8f: {  	v32 =	vsel vm3, v37, v32;
	v34 =	vshll.u32 v34, $0x7;
	v61 =	vshll.u32 v38, $0x7  }
0x90: {  	v29 =	vsel vm4, v29, v31;
	v31 =	vor.u32 v0, v34;
	v62 =	vor.u32 v1, v61  }
0x91: {  	vm2 =	vgt.f32 v36, v28;
	vm3 =	veq.f32 v29, v32;
	vm14 =	vlt.s32 v62, v31  }
0x92: {  	v35 =	vsel vm2, s25, v35;
	vm5 =	vgt.f32 v29, v32;
	vm3 =	vmand vm3, vm14  }
0x93: {  	v28 =	vsel vm2, v36, v28;
	v35 =	vshll.u32 v35, $0x7;
	vm2 =	vmor vm5, vm3  }
0x94: {  	v63 =	vor.u32 v2, v35;
	v29 =	vsel vm2, v29, v32;
	v31 =	vsel vm2, v62, v31  }
0x95: {  	vm2 =	vgt.f32 v25, v26;
	vm3 =	veq.f32 v28, v29;
	vm15 =	vlt.s32 v63, v31  }
0x96: {  	v33 =	vsel vm2, s25, v33;
	vm8 =	vgt.f32 v28, v29;
	vm3 =	vmand vm3, vm15  }
0x97: {  	v25 =	vsel vm2, v25, v26;
	v26 =	vshll.u32 v33, $0x7;
	vm2 =	vmor vm8, vm3  }
0x98: {  	v26 =	vor.u32 v3, v26;
	v28 =	vsel vm2, v28, v29;
	v29 =	vsel vm2, v63, v31  }
0x99: {  	vm2 =	vgt.f32 v23, v22;
	vm3 =	veq.f32 v25, v28;
	vm9 =	vlt.s32 v26, v29  }
0x9a: {  	v27 =	vsel vm2, s25, v27;
	vm10 =	vgt.f32 v25, v28;
	vm3 =	vmand vm3, vm9  }
0x9b: {  	v22 =	vsel vm2, v23, v22;
	v23 =	vshll.u32 v27, $0x7;
	vm2 =	vmor vm10, vm3  }
0x9c: {  	v23 =	vor.u32 v4, v23;
	v25 =	vsel vm2, v25, v28;
	v26 =	vsel vm2, v26, v29  }
0x9d: {  	vm2 =	vgt.f32 v19, v20;
	vm3 =	veq.f32 v22, v25;
	vm11 =	vlt.s32 v23, v26  }
0x9e: {  	v24 =	vsel vm2, s25, v24;
	vm12 =	vgt.f32 v22, v25;
	vm3 =	vmand vm3, vm11  }
0x9f: {  	v19 =	vsel vm2, v19, v20;
	v20 =	vshll.u32 v24, $0x7;
	vm2 =	vmor vm12, vm3  }
0xa0: {  	v20 =	vor.u32 v5, v20;
	v22 =	vsel vm2, v22, v25;
	v23 =	vsel vm2, v23, v26  }
0xa1: {  	vm2 =	vgt.f32 v18, v16;
	vm3 =	veq.f32 v19, v22;
	vm13 =	vlt.s32 v20, v23  }
0xa2: {  	v21 =	vsel vm2, s25, v21;
	vm14 =	vgt.f32 v19, v22;
	vm3 =	vmand vm3, vm13  }
0xa3: {  	v16 =	vsel vm2, v18, v16;
	v18 =	vshll.u32 v21, $0x7;
	vm2 =	vmor vm14, vm3  }
0xa4: {  	v18 =	vor.u32 v6, v18;
	v19 =	vsel vm2, v19, v22;
	v20 =	vsel vm2, v20, v23  }
0xa5: {  	vm2 =	vgt.f32 v17, v15;
	vm3 =	veq.f32 v16, v19;
	vm15 =	vlt.s32 v18, v20  }
0xa6: {  	v21 =	vsel vm2, s25, v30;
	vm8 =	vgt.f32 v16, v19;
	vm3 =	vmand vm3, vm15  }
0xa7: {  	v15 =	vsel vm2, v17, v15;
	v17 =	vshll.u32 v21, $0x7;
	vm2 =	vmor vm8, vm3  }
0xa8: {  	v17 =	vor.u32 v7, v17;
	v16 =	vsel vm2, v16, v19;
	v18 =	vsel vm2, v18, v20  }
0xa9: {  	vm2 =	veq.f32 v15, v16;
	vm3 =	vlt.s32 v17, v18  }
0xaa: {  	vm9 =	vgt.f32 v15, v16;
	vm2 =	vmand vm2, vm3  }
0xab: {  	vm2 =	vmor vm9, vm2  }
0xac: {  	v15 =	vsel vm2, v15, v16;
	v16 =	vsel vm2, v17, v18  }
0xad: {  	v17 =	vperm.xlane v15, v8;
	v18 =	vperm.xlane v16, v8;
	_ =	sdelay $0x1  }
0xae: {  	vm2 =	veq.f32 v17, v15;
	vm3 =	vlt.s32 v18, v16  }
0xaf: {  	vm10 =	vgt.f32 v17, v15;
	vm2 =	vmand vm2, vm3  }
0xb0: {  	vm2 =	vmor vm10, vm2  }
0xb1: {  	v15 =	vsel vm2, v17, v15;
	v16 =	vsel vm2, v18, v16  }
0xb2: {  	v17 =	vperm.xlane v15, v9;
	v18 =	vperm.xlane v16, v9;
	_ =	sdelay $0x1  }
0xb3: {  	vm2 =	veq.f32 v17, v15;
	vm3 =	vlt.s32 v18, v16  }
0xb4: {  	vm11 =	vgt.f32 v17, v15;
	vm2 =	vmand vm2, vm3  }
0xb5: {  	vm2 =	vmor vm11, vm2  }
0xb6: {  	v15 =	vsel vm2, v17, v15;
	v16 =	vsel vm2, v18, v16  }
0xb7: {  	v17 =	vperm.xlane v15, v10;
	v18 =	vperm.xlane v16, v10;
	_ =	sdelay $0x1  }
0xb8: {  	vm2 =	veq.f32 v17, v15;
	vm3 =	vlt.s32 v18, v16  }
0xb9: {  	vm12 =	vgt.f32 v17, v15;
	vm2 =	vmand vm2, vm3  }
0xba: {  	vm2 =	vmor vm12, vm2  }
0xbb: {  	v15 =	vsel vm2, v17, v15;
	v16 =	vsel vm2, v18, v16  }
0xbc: {  	v17 =	vperm.xlane v15, v11;
	v18 =	vperm.xlane v16, v11;
	_ =	sdelay $0x1  }
0xbd: {  	vm2 =	veq.f32 v17, v15;
	vm3 =	vlt.s32 v18, v16  }
0xbe: {  	vm13 =	vgt.f32 v17, v15;
	vm2 =	vmand vm2, vm3  }
0xbf: {  	vm2 =	vmor vm13, vm2  }
0xc0: {  	v15 =	vsel vm2, v18, v16  }
0xc1: {  	(v2sf) =	vpush v15, $0x0;
	_ =	sdelay $0xe  }
0xc2: {  	s25 =	spop (v2sf)  }
0xc3: {  	s31 =	sshll.u32 s25, $0x3  }
0xc4: {  	s26 =	sand.u32 $0x7FFFFC00, s31  }
0xc5: {  	s26 =	sadd.s32 s5, s26  }
0xc6: {  	s26 =	sshrl.u32 s26, $0x3  }
0xc7: {  	s28 =	simm.s32 $0x0;
	s26 =	sadd.s32 s2, s26  }
0xc8: {  	[tilespmem:s18], [sflag:$0x3] =	stream.linear.gather [hbm4b:s26+s28], $0x400, $0x38;
	[tilespmem:$0x10C80] =	vst v63  }
0xc9: {  	_ =	swait.ge [sflag:s15], $0x8000  }
0xca: {  	[sflag:s15] =	ssyncset.done $0x0  }
0xcb: {  	s31 =	simm.s32 $0x40;
	[sflag:s15] =	ssyncadd.s32 $0xFFFF8000  }
0xcc: {  	v15 =	vld [tilespmem:s31+$0xFFFFFFC0]  }
0xcd: {  	v16 =	vld [tilespmem:s31+$0xFFFFFFD0]  }
0xce: {  	v17 =	vld [tilespmem:s31+$0xFFFFFFE0]  }
0xcf: {  	v18 =	vld [tilespmem:s31+$0xFFFFFFF0]  }
0xd0: {  	v19 =	vld [tilespmem:s31+$0x0]  }
0xd1: {  	v20 =	vld [tilespmem:s31+$0x10]  }
0xd2: {  	v21 =	vld [tilespmem:s31+$0x20];
	_ =	sdelay $0x1  }
0xd3: {  	s29 =	simm.s32 $0xC0;
	v24 =	vimm.f32 $-Inf;
	v27 =	vld [tilespmem:s31+$0x30]  }
0xd4: {  	v30 =	vimm.s32 $0x0;
	v37 =	vld [tilespmem:s29+$0xFFFFFFC0];
	vm2 =	vgt.f32 v15, v24;
	vm3 =	vgt.f32 v16, v24  }
0xd5: {  	v29 =	vld [tilespmem:s29+$0xFFFFFFD0];
	vm14 =	vgt.f32 v17, v24;
	vm15 =	vgt.f32 v18, v24;
	vm6 =	vgt.f32 v19, v24  }
0xd6: {  	v36 =	vld [tilespmem:s29+$0xFFFFFFE0];
	vm7 =	vgt.f32 v20, v24;
	vm8 =	vgt.f32 v21, v24;
	v32 =	vsel vm2, v15, v24  }
0xd7: {  	v25 =	vld [tilespmem:s29+$0xFFFFFFF0];
	v34 =	vsel vm2, s28, v30;
	v31 =	vsel vm3, v16, v24;
	v28 =	vsel vm14, v17, v24  }
0xd8: {  	v23 =	vld [tilespmem:s29+$0x0];
	v26 =	vsel vm15, v18, v24;
	v22 =	vsel vm6, v19, v24;
	vm2 =	vgt.f32 v27, v24  }
0xd9: {  	v19 =	vld [tilespmem:s29+$0x10];
	v20 =	vsel vm7, v20, v24;
	v16 =	vsel vm8, v21, v24;
	v38 =	vsel vm3, s28, v30  }
0xda: {  	v18 =	vld [tilespmem:s29+$0x20];
	v35 =	vsel vm14, s28, v30;
	v33 =	vsel vm15, s28, v30;
	v21 =	vsel vm8, s28, v30  }
0xdb: {  	s30 =	simm.s32 $0x2;
	s26 =	simm.s32 $0x1;
	v17 =	vld [tilespmem:s29+$0x30];
	s29 =	simm.s32 $0x140;
	v15 =	vsel vm2, v27, v24;
	v27 =	vsel vm6, s28, v30;
	v24 =	vsel vm7, s28, v30  }
.LBB2_6:
0xdc: {  	v39 =	vld [tilespmem:s29+$0xFFFFFFC0];
	p0 =	sne.s32 s30, $0xFF;
	vm3 =	vgt.f32 v37, v32;
	vm4 =	vgt.f32 v29, v31;
	v30 =	vsel vm2, s28, v30;
	s28 =	smov.u32 s26;
	s26 =	smov.u32 s30  }
0xdd: {  	v32 =	vsel vm3, v37, v32;
	v34 =	vsel vm3, s28, v34;
	v31 =	vsel vm4, v29, v31;
	v29 =	vld [tilespmem:s29+$0xFFFFFFD0]  }
0xde: {  	vm5 =	vgt.f32 v25, v26;
	vm3 =	vgt.f32 v36, v28;
	vm6 =	vgt.f32 v23, v22;
	v40 =	vld [tilespmem:s29+$0xFFFFFFE0]  }
.Ltmp2:
0xdf: {  	v26 =	vsel vm5, v25, v26;
	v28 =	vsel vm3, v36, v28;
	v22 =	vsel vm6, v23, v22;
	v25 =	vld [tilespmem:s29+$0xFFFFFFF0];
	(pc) =	sbr.rel @p0 .LBB2_6-.Ltmp2, $4  }
0xe0: {  	vm7 =	vgt.f32 v19, v20;
	vm8 =	vgt.f32 v18, v16;
	v23 =	vld [tilespmem:s29+$0x0];
	vm2 =	vgt.f32 v17, v15  }
0xe1: {  	v20 =	vsel vm7, v19, v20;
	v16 =	vsel vm8, v18, v16;
	v19 =	vld [tilespmem:s29+$0x10];
	v15 =	vsel vm2, v17, v15;
	v37 =	vmovc v39  }
0xe2: {  	v38 =	vsel vm4, s28, v38;
	v33 =	vsel vm5, s28, v33;
	v35 =	vsel vm3, s28, v35;
	v18 =	vld [tilespmem:s29+$0x20]  }
0xe3: {  	s30 =	sadd.s32 $0x1, s30;
	v27 =	vsel vm6, s28, v27;
	v24 =	vsel vm7, s28, v24;
	v21 =	vsel vm8, s28, v21;
	v17 =	vld [tilespmem:s29+$0x30];
	s29 =	sadd.s32 $0x80, s29;
	v36 =	vmovc v40  }
0xe4: {  	vm3 =	vgt.f32 v37, v32;
	vm4 =	vgt.f32 v29, v31  }
0xe5: {  	v30 =	vsel vm2, s28, v30;
	v34 =	vsel vm3, s26, v34;
	v38 =	vsel vm4, s26, v38  }
0xe6: {  	v32 =	vsel vm3, v37, v32;
	v34 =	vshll.u32 v34, $0x7;
	v46 =	vshll.u32 v38, $0x7  }
0xe7: {  	v29 =	vsel vm4, v29, v31;
	v47 =	vor.u32 v0, v34;
	v48 =	vor.u32 v1, v46  }
0xe8: {  	vm2 =	vgt.f32 v36, v28;
	vm3 =	veq.f32 v29, v32;
	vm8 =	vlt.s32 v48, v47  }
0xe9: {  	v35 =	vsel vm2, s26, v35;
	vm5 =	vgt.f32 v29, v32;
	vm3 =	vmand vm3, vm8  }
0xea: {  	v28 =	vsel vm2, v36, v28;
	v35 =	vshll.u32 v35, $0x7;
	vm2 =	vmor vm5, vm3  }
0xeb: {  	v49 =	vor.u32 v2, v35;
	v29 =	vsel vm2, v29, v32;
	v31 =	vsel vm2, v48, v47  }
0xec: {  	vm2 =	vgt.f32 v25, v26;
	vm3 =	veq.f32 v28, v29;
	vm9 =	vlt.s32 v49, v31  }
0xed: {  	v33 =	vsel vm2, s26, v33;
	vm10 =	vgt.f32 v28, v29;
	vm3 =	vmand vm3, vm9  }
0xee: {  	v25 =	vsel vm2, v25, v26;
	v50 =	vshll.u32 v33, $0x7;
	vm2 =	vmor vm10, vm3  }
0xef: {  	v26 =	vor.u32 v3, v50;
	v28 =	vsel vm2, v28, v29;
	v51 =	vsel vm2, v49, v31  }
0xf0: {  	vm2 =	vgt.f32 v23, v22;
	vm3 =	veq.f32 v25, v28;
	vm11 =	vlt.s32 v26, v51  }
0xf1: {  	v27 =	vsel vm2, s26, v27;
	vm12 =	vgt.f32 v25, v28;
	vm3 =	vmand vm3, vm11  }
0xf2: {  	v22 =	vsel vm2, v23, v22;
	v52 =	vshll.u32 v27, $0x7;
	vm2 =	vmor vm12, vm3  }
0xf3: {  	v23 =	vor.u32 v4, v52;
	v25 =	vsel vm2, v25, v28;
	v26 =	vsel vm2, v26, v51  }
0xf4: {  	vm2 =	vgt.f32 v19, v20;
	vm3 =	veq.f32 v22, v25;
	vm13 =	vlt.s32 v23, v26  }
0xf5: {  	v24 =	vsel vm2, s26, v24;
	vm14 =	vgt.f32 v22, v25;
	vm3 =	vmand vm3, vm13  }
0xf6: {  	v19 =	vsel vm2, v19, v20;
	v53 =	vshll.u32 v24, $0x7;
	vm2 =	vmor vm14, vm3  }
0xf7: {  	v20 =	vor.u32 v5, v53;
	v22 =	vsel vm2, v22, v25;
	v23 =	vsel vm2, v23, v26  }
0xf8: {  	vm2 =	vgt.f32 v18, v16;
	vm3 =	veq.f32 v19, v22;
	vm15 =	vlt.s32 v20, v23  }
0xf9: {  	v21 =	vsel vm2, s26, v21;
	vm8 =	vgt.f32 v19, v22;
	vm3 =	vmand vm3, vm15  }
0xfa: {  	v16 =	vsel vm2, v18, v16;
	v54 =	vshll.u32 v21, $0x7;
	vm2 =	vmor vm8, vm3  }
0xfb: {  	v18 =	vor.u32 v6, v54;
	v19 =	vsel vm2, v19, v22;
	v20 =	vsel vm2, v20, v23  }
0xfc: {  	vm2 =	vgt.f32 v17, v15;
	vm3 =	veq.f32 v16, v19;
	vm9 =	vlt.s32 v18, v20  }
0xfd: {  	v55 =	vsel vm2, s26, v30;
	vm10 =	vgt.f32 v16, v19;
	vm3 =	vmand vm3, vm9  }
0xfe: {  	v15 =	vsel vm2, v17, v15;
	v56 =	vshll.u32 v55, $0x7;
	vm2 =	vmor vm10, vm3  }
0xff: {  	v17 =	vor.u32 v7, v56;
	v16 =	vsel vm2, v16, v19;
	v18 =	vsel vm2, v18, v20  }
0x100: {  	vm2 =	veq.f32 v15, v16;
	vm3 =	vlt.s32 v17, v18  }
0x101: {  	vm11 =	vgt.f32 v15, v16;
	vm2 =	vmand vm2, vm3  }
0x102: {  	vm2 =	vmor vm11, vm2  }
0x103: {  	v15 =	vsel vm2, v15, v16;
	v57 =	vsel vm2, v17, v18  }
0x104: {  	v58 =	vperm.xlane v15, v8;
	v18 =	vperm.xlane v57, v8;
	_ =	sdelay $0x1  }
0x105: {  	vm2 =	veq.f32 v58, v15;
	vm3 =	vlt.s32 v18, v57  }
0x106: {  	vm12 =	vgt.f32 v58, v15;
	vm2 =	vmand vm2, vm3  }
0x107: {  	vm2 =	vmor vm12, vm2  }
0x108: {  	v15 =	vsel vm2, v58, v15;
	v16 =	vsel vm2, v18, v57  }
0x109: {  	v17 =	vperm.xlane v15, v9;
	v18 =	vperm.xlane v16, v9;
	_ =	sdelay $0x1  }
0x10a: {  	vm2 =	veq.f32 v17, v15;
	vm3 =	vlt.s32 v18, v16  }
0x10b: {  	vm13 =	vgt.f32 v17, v15;
	vm2 =	vmand vm2, vm3  }
0x10c: {  	vm2 =	vmor vm13, vm2  }
0x10d: {  	v15 =	vsel vm2, v17, v15;
	v16 =	vsel vm2, v18, v16  }
0x10e: {  	v17 =	vperm.xlane v15, v10;
	v18 =	vperm.xlane v16, v10;
	_ =	sdelay $0x1  }
0x10f: {  	vm2 =	veq.f32 v17, v15;
	vm3 =	vlt.s32 v18, v16  }
0x110: {  	vm14 =	vgt.f32 v17, v15;
	vm2 =	vmand vm2, vm3  }
0x111: {  	vm2 =	vmor vm14, vm2  }
0x112: {  	v15 =	vsel vm2, v17, v15;
	v16 =	vsel vm2, v18, v16  }
0x113: {  	v17 =	vperm.xlane v15, v11;
	v18 =	vperm.xlane v16, v11;
	_ =	sdelay $0x1  }
0x114: {  	vm2 =	veq.f32 v17, v15;
	vm3 =	vlt.s32 v18, v16  }
0x115: {  	vm15 =	vgt.f32 v17, v15;
	vm2 =	vmand vm2, vm3  }
0x116: {  	vm2 =	vmor vm15, vm2  }
0x117: {  	v15 =	vsel vm2, v18, v16  }
0x118: {  	(v2sf) =	vpush v15, $0x0;
	_ =	sdelay $0xe  }
0x119: {  	s26 =	spop (v2sf)  }
0x11a: {  	s29 =	sshll.u32 s26, $0x3  }
0x11b: {  	s28 =	sand.u32 $0x7FFFFC00, s29  }
0x11c: {  	s28 =	sadd.s32 s6, s28  }
0x11d: {  	s28 =	sshrl.u32 s28, $0x3  }
0x11e: {  	s28 =	sadd.s32 s2, s28  }
0x11f: {  	[tilespmem:s19], [sflag:$0x3] =	stream.linear.gather [hbm4b:s28+s3], $0x400, $0x38;
	[tilespmem:$0x10C80] =	vst v63  }
0x120: {  	_ =	swait.ge [sflag:s20], $0x400  }
0x121: {  	[sflag:s20] =	ssyncset.done $0x0  }
0x122: {  	[sflag:s20] =	ssyncadd.s32 $0xFFFFFC00  }
0x123: {  	_ =	swait.ge [sflag:s20], $0x400  }
0x124: {  	[sflag:s20] =	ssyncset.done $0x0  }
0x125: {  	[sflag:s20] =	ssyncadd.s32 $0xFFFFFC00  }
0x126: {  	_ =	swait.ge [sflag:s20], $0x400  }
0x127: {  	[sflag:s20] =	ssyncset.done $0x0  }
0x128: {  	s30 =	sand.u32 $0x70, s24;
	[sflag:s20] =	ssyncadd.s32 $0xFFFFFC00  }
0x129: {  	s31 =	sand.u32 $0x70, s25;
	v59 =	vld.idx.msk [tilespmem:v12+s30+$0x0 ss:$0x1], $0xffff  }
0x12a: {  	s26 =	sand.u32 $0x70, s26;
	v60 =	vld.idx.msk [tilespmem:v13+s31+$0x400 ss:$0x1], $0xffff  }
0x12b: {  	v61 =	vld.idx.msk [tilespmem:v14+s26+$0x800 ss:$0x1], $0xffff;
	_ =	sdelay $0x1  }
0x12c: {  	v62 =	vmov s24  }
0x12d: {  	v63 =	vmov s25;
	v15 =	vbroadcast v15, $0x0;
	v16 =	vperm.xlane v59, v62  }
0x12e: {  	vm2 =	vmmov $0x1;
	v17 =	vperm.xlane v60, v63  }
0x12f: {  	v15 =	vperm.xlane v61, v15;
	v16 =	vnsel vm2, $0x0, v16  }
0x130: {  	s23 =	sadd.s32 $0x1, s23;
	v16 =	vsel vm0, v16, v17  }
0x131: {  	p0 =	sne.s32 s23, s11;
	v15 =	vsel vm1, v16, v15  }
.Ltmp3:
0x132: {  	[tilespmem:$0x10C00] =	vst v15;
	(pc) =	sbr.rel @p0 .LBB2_1-.Ltmp3, $4  }
0x133: {  	[hbm4b:s10+s3] =	stream.linear.scatter [tilespmem:s21], [sflag:$0x4], $0x80, $0x38;
	[tilespmem:$0x10C80] =	vst v63  }
0x134: {  	_ =	swait.ge [sflag:s22], $0x80  }
0x135: {  	[sflag:s22] =	ssyncset.done $0x0  }
0x136: {  	[sflag:s22] =	ssyncadd.s32 $0xFFFFFF80  }
0x137: {  	_ =	sfence.sel $0x180000  }
0x138: {  	[bflag:$0x0] =	sbarrier.arrive $0xFFFF  }
0x139: {  	p0 =	sne.s32 s0, $0x0;
	_ =	strace $0x90000047  }
0x13a: {  	s0 =	sadd.s32 @!p0 $0x100000, s1;
	[bflag:$0x2] =	sbarrier.arrive $0xFFFF  }
0x13b: {  	[sflag:s0] =	ssyncadd.tile.s32 @!p0 $0x1;
	_ =	shalt  }
.Lfunc_end2:
_tile_overlayer_lowered:
.L_overlay_start_2:
0x13c: {  	(tag) =	ssettag $0x2  }
0x13d: {  	s0 =	rddreg [dreg:$0x0];
	s2 =	stileid.u32  }
0x13e: {  	s1 =	rddreg [dreg:$0x1];
	p0 =	sne.s32 s2, $0x0  }
0x13f: {  	s3 =	rddreg [dreg:$0x2];
	[bflag:$0x3] =	sbarrier.arrive $0xFFFF;
	s2 =	simm.s32 @!p0 $0x1C04  }
0x140: {  	[timem:s3], [sflag:s2] =	dma.local @!p0 [hbm:s0], s1  }
0x141: {  	s0 =	simm.s32 @!p0 $0x4  }
0x142: {  	_ =	swait.ge @!p0 [sflag:s0], s1  }
0x143: {  	s1 =	ssub.s32 @!p0 $0x0, s1;
	[sflag:s0] =	ssyncset.done @!p0 $0x0  }
0x144: {  	[sflag:s0] =	ssyncadd.s32 @!p0 s1  }
0x145: {  	[bflag:$0x3] =	sbarrier.arrive $0xFFFF  }
0x146: {  	_ =	shalt  }

</sc_bundles>
